<compile_context>
chip_gen: v7x
topology: tpu7x:2x2x1
jax: 0.10.2.dev20260603
libtpu: 0.0.44.dev20260713+nightly
codegen_flags: <defaults>
</compile_context>

<pallas_src>
import functools

import jax
import jax.numpy as jnp
from jax import lax
from jax.experimental import pallas as pl
from jax.experimental.pallas import tpu as pltpu
from jax.experimental.pallas import tpu_sc as plsc

_NC = 2
_NS = 16
_NW = _NC * _NS
_CHUNK = 128


def _sc_gather_body(n_chunks, x_hbm, idx_hbm, out_hbm, idx_v, rows_v, sem):
    wid = lax.axis_index("s") * _NC + lax.axis_index("c")
    pltpu.sync_copy(idx_hbm.at[wid], idx_v)

    def issue(j, carry):
        pltpu.async_copy(
            x_hbm.at[idx_v.at[j]], rows_v.at[pl.ds(j * _CHUNK, _CHUNK)], sem)
        return carry

    lax.fori_loop(0, n_chunks, issue, 0, unroll=False)
    pltpu.make_async_copy(
        x_hbm.at[pl.ds(0, n_chunks * _CHUNK)], rows_v, sem).wait()
    pltpu.sync_copy(rows_v, out_hbm.at[wid])


def _sc_gather(x_flat, idx3):
    n_chunks = idx3.shape[1]
    mesh = plsc.VectorSubcoreMesh(
        core_axis_name="c", subcore_axis_name="s", num_cores=_NC,
        num_subcores=_NS)
    kern = pl.kernel(
        functools.partial(_sc_gather_body, n_chunks),
        out_type=jax.ShapeDtypeStruct((_NW, n_chunks * _CHUNK), jnp.float32),
        mesh=mesh,
        scratch_types=[
            pltpu.VMEM((n_chunks, _CHUNK), jnp.int32),
            pltpu.VMEM((n_chunks * _CHUNK,), jnp.float32),
            pltpu.SemaphoreType.DMA,
        ],
    )
    return kern(x_flat, idx3)


def _dense_body(bb, v, vp, x_ref, o_ref, flat_ref, xp_ref, sem):
    i = pl.program_id(0)
    x = x_ref[...]
    xp_ref[:, :v] = x
    copies = [
        pltpu.make_async_copy(
            xp_ref.at[r], flat_ref.at[pl.ds((i * bb + r) * vp, vp)], sem)
        for r in range(bb)
    ]
    for c in copies:
        c.start()

    dense = jnp.sum(jnp.maximum(x, 0.0) + jnp.log(1.0 + jnp.exp(-jnp.abs(x))))

    @pl.when(i == 0)
    def _():
        o_ref[...] = jnp.zeros_like(o_ref)

    o_ref[...] += jnp.full((1, 1), dense, jnp.float32)
    for c in copies:
        c.wait()


def _corr_body(l_real, ids_ref, m_ref, vals_ref, o_ref):
    ids = ids_ref[...]
    m = m_ref[...]
    vals = vals_ref[...]
    lu = (l_real + 7) // 8 * 8
    eq = ids[:, :lu, None] == ids[:, None, :]
    mt = jnp.sum(jnp.where(eq, m[:, :lu, None], 0.0), axis=1)
    w = jnp.where(mt != 0.0, m * jnp.minimum(mt, 1.0) / mt, 0.0)
    corr = jnp.sum(w * vals)

    @pl.when(pl.program_id(0) == 0)
    def _():
        o_ref[...] = jnp.zeros_like(o_ref)

    o_ref[...] += jnp.full((1, 1), corr, jnp.float32)


def kernel(sparse_repr, input_ids, attention_mask):
    b, v = sparse_repr.shape
    l = input_ids.shape[1]
    ids = input_ids.astype(jnp.int32)
    mask = attention_mask.astype(jnp.float32)

    bb = 8
    vp = (v + 127) // 128 * 128
    hb = b // 2

    def dense_half(row0):
        return pl.pallas_call(
            functools.partial(_dense_body, bb, v, vp),
            grid=(hb // bb,),
            in_specs=[
                pl.BlockSpec((bb, v), lambda i, r0=row0: (i + r0 // bb, 0))],
            out_specs=[
                pl.BlockSpec((1, 1), lambda i: (0, 0)),
                pl.BlockSpec(memory_space=pl.ANY),
            ],
            out_shape=[
                jax.ShapeDtypeStruct((1, 1), jnp.float32),
                jax.ShapeDtypeStruct((hb * vp,), jnp.float32),
            ],
            scratch_shapes=[
                pltpu.VMEM((bb, vp), jnp.float32),
                pltpu.SemaphoreType.DMA,
            ],
        )(sparse_repr)

    d0, flat0 = dense_half(0)
    d1, flat1 = dense_half(hb)
    dense_tot = d0 + d1

    assert (hb * l) % (_NW * _CHUNK) == 0
    rows_loc = jnp.arange(hb, dtype=jnp.int32)[:, None] * vp

    def gather_half(flat_h, ids_h):
        idx3 = (ids_h + rows_loc).reshape(_NW, -1, _CHUNK)
        return _sc_gather(flat_h, idx3).reshape(hb, l)

    vals = jnp.concatenate(
        [gather_half(flat0, ids[:hb]), gather_half(flat1, ids[hb:])], axis=0)

    lp = (l + 127) // 128 * 128
    ids_p = jnp.pad(ids, ((0, 0), (0, lp - l)), constant_values=-1)
    m_p = jnp.pad(mask, ((0, 0), (0, lp - l)))
    vals_p = jnp.pad(vals, ((0, 0), (0, lp - l)))

    bc = 16
    corr_tot = pl.pallas_call(
        functools.partial(_corr_body, l),
        grid=(b // bc,),
        in_specs=[
            pl.BlockSpec((bc, lp), lambda i: (i, 0)),
            pl.BlockSpec((bc, lp), lambda i: (i, 0)),
            pl.BlockSpec((bc, lp), lambda i: (i, 0)),
        ],
        out_specs=pl.BlockSpec((1, 1), lambda i: (0, 0)),
        out_shape=jax.ShapeDtypeStruct((1, 1), jnp.float32),
    )(ids_p, m_p, vals_p)

    return (dense_tot[0, 0] - corr_tot[0, 0]) / (b * v)

# --- scband reference (transcript-rebuilt; emitter-appended) ---
"""Pipeline reference for scband-self-reconstruction-loss-30700426232080 (READ-ONLY COPY).

The authoritative reference and input builder live on the scoring server;
editing this copy changes nothing except your own understanding.
"""

import jax, jax.numpy as jnp
import numpy as np

B = 1024
V = 100000
L = 200

def setup_inputs(seed: int = 0) -> dict:
    key = jax.random.key(seed)
    k1, k2 = jax.random.split(key)
    sparse_repr = jax.random.normal(k1, (B, V), dtype=jnp.float32)
    input_ids = jax.random.randint(k2, (B, L), 0, V, dtype=jnp.int64)
    attention_mask = jnp.ones((B, L), dtype=jnp.float32)
    return {"sparse_repr": sparse_repr, "input_ids": input_ids, "attention_mask": attention_mask}

def reference(sparse_repr, input_ids, attention_mask):
    b, v = sparse_repr.shape
    rows = jnp.broadcast_to(jnp.arange(b)[:, None], input_ids.shape)
    target = jnp.zeros_like(sparse_repr).at[rows, input_ids].add(attention_mask.astype(jnp.float32))
    target = jnp.minimum(target, 1.0)
    x = sparse_repr
    # binary_cross_entropy_with_logits, numerically stable form
    loss_el = jnp.maximum(x, 0.0) - x * target + jnp.log1p(jnp.exp(-jnp.abs(x)))
    return jnp.mean(loss_el)

if __name__ == "__main__":
    import jax
    _d = setup_inputs()
    print(jax.jit(kernel)(*tuple(_d.values())))

</pallas_src>

<mosaic_0001>
#map = affine_map<(d0, d1) -> (0)>
#map1 = affine_map<(d0, d1) -> (0, 0, 0)>
#map2 = affine_map<(d0, d1) -> (0, 0)>
module attributes {stable_mosaic.version = 14 : i64} {
  func.func @_sc_gather_body(%arg0: i32, %arg1: i32, %arg2: memref<51249152xf32, #tpu.memory_space<hbm>>, %arg3: memref<32x25x128xi32, #tpu.memory_space<hbm>>, %arg4: memref<32x3200xf32, #tpu.memory_space<hbm>>, %arg5: memref<25x128xi32, #tpu.memory_space<vmem>>, %arg6: memref<3200xf32, #tpu.memory_space<vmem>>, %arg7: memref<!tpu.dma_semaphore, #tpu.memory_space<semaphore_mem>>) attributes {dimension_semantics = [#tpu.dimension_semantics<core_parallel>, #tpu.dimension_semantics<subcore_parallel>], iteration_bounds = array<i64: 2, 16>, scalar_prefetch = 0 : i64, scratch_operands = 3 : i64, tpu.core_type = #tpu.core_type<sc_vector_subcore>, window_params = [{transform_indices = #map}, {transform_indices = #map1}, {transform_indices = #map2}]} {
    %mul3A = arith.constant 2 : i32
    %mul3A_0 = arith.muli %arg1, %mul3A : i32
    %add3A = arith.addi %mul3A_0, %arg0 : i32
    "tpu.region"() ({
      %run_scoped3A = tpu.sem_alloc : memref<!tpu.dma_semaphore, #tpu.memory_space<semaphore_mem>>
      %dma_start3A = arith.constant 0 : i32
      %dma_start3A_9 = arith.constant 0 : i32
      %dma_start3A_10 = tpu.memref_slice %arg3[%add3A, %dma_start3A, %dma_start3A_9] : memref<32x25x128xi32, #tpu.memory_space<hbm>> -> memref<1x25x128xi32, #tpu.memory_space<hbm>>
      %dma_start3A_11 = tpu.memref_squeeze %dma_start3A_10 : memref<1x25x128xi32, #tpu.memory_space<hbm>> -> memref<25x128xi32, #tpu.memory_space<hbm>>
      %dma_start3A_12 = arith.constant 0 : i32
      %dma_start3A_13 = arith.constant 0 : i32
      %dma_start3A_14 = tpu.memref_slice %arg3[%add3A, %dma_start3A_12, %dma_start3A_13] : memref<32x25x128xi32, #tpu.memory_space<hbm>> -> memref<1x25x128xi32, #tpu.memory_space<hbm>>
      %dma_start3A_15 = tpu.memref_squeeze %dma_start3A_14 : memref<1x25x128xi32, #tpu.memory_space<hbm>> -> memref<25x128xi32, #tpu.memory_space<hbm>>
      tpu.enqueue_dma source(%dma_start3A_15 : memref<25x128xi32, #tpu.memory_space<hbm>>) target(%arg5 : memref<25x128xi32, #tpu.memory_space<vmem>>) target_semaphore(%run_scoped3A : memref<!tpu.dma_semaphore, #tpu.memory_space<semaphore_mem>>)
      %dma_wait3A_16 = arith.constant 0 : i32
      %dma_wait3A_17 = arith.constant 0 : i32
      %dma_wait3A_18 = tpu.memref_slice %arg3[%add3A, %dma_wait3A_16, %dma_wait3A_17] : memref<32x25x128xi32, #tpu.memory_space<hbm>> -> memref<1x25x128xi32, #tpu.memory_space<hbm>>
      %dma_wait3A_19 = tpu.memref_squeeze %dma_wait3A_18 : memref<1x25x128xi32, #tpu.memory_space<hbm>> -> memref<25x128xi32, #tpu.memory_space<hbm>>
      %dma_wait3A_20 = arith.constant 0 : i32
      %dma_wait3A_21 = arith.constant 0 : i32
      %dma_wait3A_22 = tpu.memref_slice %arg3[%add3A, %dma_wait3A_20, %dma_wait3A_21] : memref<32x25x128xi32, #tpu.memory_space<hbm>> -> memref<1x25x128xi32, #tpu.memory_space<hbm>>
      %dma_wait3A_23 = tpu.memref_squeeze %dma_wait3A_22 : memref<1x25x128xi32, #tpu.memory_space<hbm>> -> memref<25x128xi32, #tpu.memory_space<hbm>>
      tpu.wait_dma2 semaphore(%run_scoped3A : memref<!tpu.dma_semaphore, #tpu.memory_space<semaphore_mem>>) src(%dma_wait3A_23 : memref<25x128xi32, #tpu.memory_space<hbm>>) dst(%arg5 : memref<25x128xi32, #tpu.memory_space<vmem>>)
      tpu.yield
    }) : () -> ()
    %scan3A = arith.constant 0 : i32
    %scan3A_1 = arith.constant 0 : i32
    %scan3A_2 = arith.constant 25 : i32
    %scan3A_3 = arith.addi %scan3A_1, %scan3A_2 : i32
    %scan3A_4 = arith.constant 1 : i32
    scf.for %scan3A_9 = %scan3A_1 to %scan3A_3 step %scan3A_4  : i32 {
      %mul3A_10 = arith.constant 128 : i32
      %mul3A_11 = arith.muli %scan3A_9, %mul3A_10 : i32
      %dma_start3A = tpu.memref_slice %arg6[%mul3A_11] : memref<3200xf32, #tpu.memory_space<vmem>> -> memref<128xf32, #tpu.memory_space<vmem>>
      %dma_start3A_12 = arith.constant 0 : i32
      %dma_start3A_13 = tpu.memref_slice %arg5[%scan3A_9, %dma_start3A_12] : memref<25x128xi32, #tpu.memory_space<vmem>> -> memref<1x128xi32, #tpu.memory_space<vmem>>
      %dma_start3A_14 = tpu.memref_squeeze %dma_start3A_13 : memref<1x128xi32, #tpu.memory_space<vmem>> -> memref<128xi32, #tpu.memory_space<vmem>>
      %dma_start3A_15 = arith.constant 0 : i32
      %dma_start3A_16 = tpu.memref_slice %arg2[%dma_start3A_15] : memref<51249152xf32, #tpu.memory_space<hbm>> -> memref<51249152xf32, #tpu.memory_space<hbm>>
      tpu.enqueue_indirect_dma source(%dma_start3A_16 : memref<51249152xf32, #tpu.memory_space<hbm>>) target(%dma_start3A : memref<128xf32, #tpu.memory_space<vmem>>) offsets(%dma_start3A_14 : memref<128xi32, #tpu.memory_space<vmem>>) semaphore(%arg7 : memref<!tpu.dma_semaphore, #tpu.memory_space<semaphore_mem>>)
    }
    %scan3A_5 = arith.constant 25 : i32
    %dma_wait3A = arith.constant 0 : i32
    %dma_wait3A_6 = tpu.memref_slice %arg2[%dma_wait3A] : memref<51249152xf32, #tpu.memory_space<hbm>> -> memref<3200xf32, #tpu.memory_space<hbm>>
    %dma_wait3A_7 = arith.constant 0 : i32
    %dma_wait3A_8 = tpu.memref_slice %arg2[%dma_wait3A_7] : memref<51249152xf32, #tpu.memory_space<hbm>> -> memref<3200xf32, #tpu.memory_space<hbm>>
    tpu.wait_dma2 semaphore(%arg7 : memref<!tpu.dma_semaphore, #tpu.memory_space<semaphore_mem>>) src(%dma_wait3A_8 : memref<3200xf32, #tpu.memory_space<hbm>>) dst(%arg6 : memref<3200xf32, #tpu.memory_space<vmem>>)
    "tpu.region"() ({
      %run_scoped3A = tpu.sem_alloc : memref<!tpu.dma_semaphore, #tpu.memory_space<semaphore_mem>>
      %dma_start3A = arith.constant 0 : i32
      %dma_start3A_9 = tpu.memref_slice %arg4[%add3A, %dma_start3A] : memref<32x3200xf32, #tpu.memory_space<hbm>> -> memref<1x3200xf32, #tpu.memory_space<hbm>>
      %dma_start3A_10 = tpu.memref_squeeze %dma_start3A_9 : memref<1x3200xf32, #tpu.memory_space<hbm>> -> memref<3200xf32, #tpu.memory_space<hbm>>
      %dma_start3A_11 = arith.constant 0 : i32
      %dma_start3A_12 = tpu.memref_slice %arg4[%add3A, %dma_start3A_11] : memref<32x3200xf32, #tpu.memory_space<hbm>> -> memref<1x3200xf32, #tpu.memory_space<hbm>>
      %dma_start3A_13 = tpu.memref_squeeze %dma_start3A_12 : memref<1x3200xf32, #tpu.memory_space<hbm>> -> memref<3200xf32, #tpu.memory_space<hbm>>
      tpu.enqueue_dma source(%arg6 : memref<3200xf32, #tpu.memory_space<vmem>>) target(%dma_start3A_13 : memref<3200xf32, #tpu.memory_space<hbm>>) target_semaphore(%run_scoped3A : memref<!tpu.dma_semaphore, #tpu.memory_space<semaphore_mem>>)
      %dma_wait3A_14 = arith.constant 0 : i32
      %dma_wait3A_15 = tpu.memref_slice %arg4[%add3A, %dma_wait3A_14] : memref<32x3200xf32, #tpu.memory_space<hbm>> -> memref<1x3200xf32, #tpu.memory_space<hbm>>
      %dma_wait3A_16 = tpu.memref_squeeze %dma_wait3A_15 : memref<1x3200xf32, #tpu.memory_space<hbm>> -> memref<3200xf32, #tpu.memory_space<hbm>>
      %dma_wait3A_17 = arith.constant 0 : i32
      %dma_wait3A_18 = tpu.memref_slice %arg4[%add3A, %dma_wait3A_17] : memref<32x3200xf32, #tpu.memory_space<hbm>> -> memref<1x3200xf32, #tpu.memory_space<hbm>>
      %dma_wait3A_19 = tpu.memref_squeeze %dma_wait3A_18 : memref<1x3200xf32, #tpu.memory_space<hbm>> -> memref<3200xf32, #tpu.memory_space<hbm>>
      tpu.wait_dma2 semaphore(%run_scoped3A : memref<!tpu.dma_semaphore, #tpu.memory_space<semaphore_mem>>) src(%arg6 : memref<3200xf32, #tpu.memory_space<vmem>>) dst(%dma_wait3A_19 : memref<3200xf32, #tpu.memory_space<hbm>>)
      tpu.yield
    }) : () -> ()
    return
  }
}

#map = affine_map<(d0, d1) -> (0)>
#map1 = affine_map<(d0, d1) -> (0, 0, 0)>
#map2 = affine_map<(d0, d1) -> (0, 0)>
module attributes {stable_mosaic.version = 14 : i64} {
  func.func @_sc_gather_body(%arg0: i32, %arg1: i32, %arg2: memref<51249152xf32, #tpu.memory_space<hbm>>, %arg3: memref<32x25x128xi32, #tpu.memory_space<hbm>>, %arg4: memref<32x3200xf32, #tpu.memory_space<hbm>>, %arg5: memref<25x128xi32, #tpu.memory_space<vmem>>, %arg6: memref<3200xf32, #tpu.memory_space<vmem>>, %arg7: memref<!tpu.dma_semaphore, #tpu.memory_space<semaphore_mem>>) attributes {dimension_semantics = [#tpu.dimension_semantics<core_parallel>, #tpu.dimension_semantics<subcore_parallel>], iteration_bounds = array<i64: 2, 16>, scalar_prefetch = 0 : i64, scratch_operands = 3 : i64, tpu.core_type = #tpu.core_type<sc_vector_subcore>, window_params = [{transform_indices = #map}, {transform_indices = #map1}, {transform_indices = #map2}]} {
    %mul3A = arith.constant 2 : i32
    %mul3A_0 = arith.muli %arg1, %mul3A : i32
    %add3A = arith.addi %mul3A_0, %arg0 : i32
    "tpu.region"() ({
      %run_scoped3A = tpu.sem_alloc : memref<!tpu.dma_semaphore, #tpu.memory_space<semaphore_mem>>
      %dma_start3A = arith.constant 0 : i32
      %dma_start3A_9 = arith.constant 0 : i32
      %dma_start3A_10 = tpu.memref_slice %arg3[%add3A, %dma_start3A, %dma_start3A_9] : memref<32x25x128xi32, #tpu.memory_space<hbm>> -> memref<1x25x128xi32, #tpu.memory_space<hbm>>
      %dma_start3A_11 = tpu.memref_squeeze %dma_start3A_10 : memref<1x25x128xi32, #tpu.memory_space<hbm>> -> memref<25x128xi32, #tpu.memory_space<hbm>>
      %dma_start3A_12 = arith.constant 0 : i32
      %dma_start3A_13 = arith.constant 0 : i32
      %dma_start3A_14 = tpu.memref_slice %arg3[%add3A, %dma_start3A_12, %dma_start3A_13] : memref<32x25x128xi32, #tpu.memory_space<hbm>> -> memref<1x25x128xi32, #tpu.memory_space<hbm>>
      %dma_start3A_15 = tpu.memref_squeeze %dma_start3A_14 : memref<1x25x128xi32, #tpu.memory_space<hbm>> -> memref<25x128xi32, #tpu.memory_space<hbm>>
      tpu.enqueue_dma source(%dma_start3A_15 : memref<25x128xi32, #tpu.memory_space<hbm>>) target(%arg5 : memref<25x128xi32, #tpu.memory_space<vmem>>) target_semaphore(%run_scoped3A : memref<!tpu.dma_semaphore, #tpu.memory_space<semaphore_mem>>)
      %dma_wait3A_16 = arith.constant 0 : i32
      %dma_wait3A_17 = arith.constant 0 : i32
      %dma_wait3A_18 = tpu.memref_slice %arg3[%add3A, %dma_wait3A_16, %dma_wait3A_17] : memref<32x25x128xi32, #tpu.memory_space<hbm>> -> memref<1x25x128xi32, #tpu.memory_space<hbm>>
      %dma_wait3A_19 = tpu.memref_squeeze %dma_wait3A_18 : memref<1x25x128xi32, #tpu.memory_space<hbm>> -> memref<25x128xi32, #tpu.memory_space<hbm>>
      %dma_wait3A_20 = arith.constant 0 : i32
      %dma_wait3A_21 = arith.constant 0 : i32
      %dma_wait3A_22 = tpu.memref_slice %arg3[%add3A, %dma_wait3A_20, %dma_wait3A_21] : memref<32x25x128xi32, #tpu.memory_space<hbm>> -> memref<1x25x128xi32, #tpu.memory_space<hbm>>
      %dma_wait3A_23 = tpu.memref_squeeze %dma_wait3A_22 : memref<1x25x128xi32, #tpu.memory_space<hbm>> -> memref<25x128xi32, #tpu.memory_space<hbm>>
      tpu.wait_dma2 semaphore(%run_scoped3A : memref<!tpu.dma_semaphore, #tpu.memory_space<semaphore_mem>>) src(%dma_wait3A_23 : memref<25x128xi32, #tpu.memory_space<hbm>>) dst(%arg5 : memref<25x128xi32, #tpu.memory_space<vmem>>)
      tpu.yield
    }) : () -> ()
    %scan3A = arith.constant 0 : i32
    %scan3A_1 = arith.constant 0 : i32
    %scan3A_2 = arith.constant 25 : i32
    %scan3A_3 = arith.addi %scan3A_1, %scan3A_2 : i32
    %scan3A_4 = arith.constant 1 : i32
    scf.for %scan3A_9 = %scan3A_1 to %scan3A_3 step %scan3A_4  : i32 {
      %mul3A_10 = arith.constant 128 : i32
      %mul3A_11 = arith.muli %scan3A_9, %mul3A_10 : i32
      %dma_start3A = tpu.memref_slice %arg6[%mul3A_11] : memref<3200xf32, #tpu.memory_space<vmem>> -> memref<128xf32, #tpu.memory_space<vmem>>
      %dma_start3A_12 = arith.constant 0 : i32
      %dma_start3A_13 = tpu.memref_slice %arg5[%scan3A_9, %dma_start3A_12] : memref<25x128xi32, #tpu.memory_space<vmem>> -> memref<1x128xi32, #tpu.memory_space<vmem>>
      %dma_start3A_14 = tpu.memref_squeeze %dma_start3A_13 : memref<1x128xi32, #tpu.memory_space<vmem>> -> memref<128xi32, #tpu.memory_space<vmem>>
      %dma_start3A_15 = arith.constant 0 : i32
      %dma_start3A_16 = tpu.memref_slice %arg2[%dma_start3A_15] : memref<51249152xf32, #tpu.memory_space<hbm>> -> memref<51249152xf32, #tpu.memory_space<hbm>>
      tpu.enqueue_indirect_dma source(%dma_start3A_16 : memref<51249152xf32, #tpu.memory_space<hbm>>) target(%dma_start3A : memref<128xf32, #tpu.memory_space<vmem>>) offsets(%dma_start3A_14 : memref<128xi32, #tpu.memory_space<vmem>>) semaphore(%arg7 : memref<!tpu.dma_semaphore, #tpu.memory_space<semaphore_mem>>)
    }
    %scan3A_5 = arith.constant 25 : i32
    %dma_wait3A = arith.constant 0 : i32
    %dma_wait3A_6 = tpu.memref_slice %arg2[%dma_wait3A] : memref<51249152xf32, #tpu.memory_space<hbm>> -> memref<3200xf32, #tpu.memory_space<hbm>>
    %dma_wait3A_7 = arith.constant 0 : i32
    %dma_wait3A_8 = tpu.memref_slice %arg2[%dma_wait3A_7] : memref<51249152xf32, #tpu.memory_space<hbm>> -> memref<3200xf32, #tpu.memory_space<hbm>>
    tpu.wait_dma2 semaphore(%arg7 : memref<!tpu.dma_semaphore, #tpu.memory_space<semaphore_mem>>) src(%dma_wait3A_8 : memref<3200xf32, #tpu.memory_space<hbm>>) dst(%arg6 : memref<3200xf32, #tpu.memory_space<vmem>>)
    "tpu.region"() ({
      %run_scoped3A = tpu.sem_alloc : memref<!tpu.dma_semaphore, #tpu.memory_space<semaphore_mem>>
      %dma_start3A = arith.constant 0 : i32
      %dma_start3A_9 = tpu.memref_slice %arg4[%add3A, %dma_start3A] : memref<32x3200xf32, #tpu.memory_space<hbm>> -> memref<1x3200xf32, #tpu.memory_space<hbm>>
      %dma_start3A_10 = tpu.memref_squeeze %dma_start3A_9 : memref<1x3200xf32, #tpu.memory_space<hbm>> -> memref<3200xf32, #tpu.memory_space<hbm>>
      %dma_start3A_11 = arith.constant 0 : i32
      %dma_start3A_12 = tpu.memref_slice %arg4[%add3A, %dma_start3A_11] : memref<32x3200xf32, #tpu.memory_space<hbm>> -> memref<1x3200xf32, #tpu.memory_space<hbm>>
      %dma_start3A_13 = tpu.memref_squeeze %dma_start3A_12 : memref<1x3200xf32, #tpu.memory_space<hbm>> -> memref<3200xf32, #tpu.memory_space<hbm>>
      tpu.enqueue_dma source(%arg6 : memref<3200xf32, #tpu.memory_space<vmem>>) target(%dma_start3A_13 : memref<3200xf32, #tpu.memory_space<hbm>>) target_semaphore(%run_scoped3A : memref<!tpu.dma_semaphore, #tpu.memory_space<semaphore_mem>>)
      %dma_wait3A_14 = arith.constant 0 : i32
      %dma_wait3A_15 = tpu.memref_slice %arg4[%add3A, %dma_wait3A_14] : memref<32x3200xf32, #tpu.memory_space<hbm>> -> memref<1x3200xf32, #tpu.memory_space<hbm>>
      %dma_wait3A_16 = tpu.memref_squeeze %dma_wait3A_15 : memref<1x3200xf32, #tpu.memory_space<hbm>> -> memref<3200xf32, #tpu.memory_space<hbm>>
      %dma_wait3A_17 = arith.constant 0 : i32
      %dma_wait3A_18 = tpu.memref_slice %arg4[%add3A, %dma_wait3A_17] : memref<32x3200xf32, #tpu.memory_space<hbm>> -> memref<1x3200xf32, #tpu.memory_space<hbm>>
      %dma_wait3A_19 = tpu.memref_squeeze %dma_wait3A_18 : memref<1x3200xf32, #tpu.memory_space<hbm>> -> memref<3200xf32, #tpu.memory_space<hbm>>
      tpu.wait_dma2 semaphore(%run_scoped3A : memref<!tpu.dma_semaphore, #tpu.memory_space<semaphore_mem>>) src(%arg6 : memref<3200xf32, #tpu.memory_space<vmem>>) dst(%dma_wait3A_19 : memref<3200xf32, #tpu.memory_space<hbm>>)
      tpu.yield
    }) : () -> ()
    return
  }
}

module attributes {stable_mosaic.version = 14 : i64} {
  func.func @_dense_body(%arg0: i32, %arg1: memref<8x100000xf32, #tpu.memory_space<vmem>>, %arg2: memref<1x1xf32, #tpu.memory_space<vmem>>, %arg3: memref<51249152xf32, #tpu.memory_space<any>>, %arg4: memref<8x100096xf32, #tpu.memory_space<vmem>>, %arg5: memref<!tpu.dma_semaphore, #tpu.memory_space<semaphore_mem>>) attributes {dimension_semantics = [#tpu.dimension_semantics<arbitrary>], iteration_bounds = array<i64: 64>, scalar_prefetch = 0 : i64, scratch_operands = 2 : i64, tpu.core_type = #tpu.core_type<tc>, window_params = [{transform_indices = @transform_0, window_bounds = array<i64: 8, 100000>}, {pipeline_mode = #tpu.pipeline_mode<synchronous>, transform_indices = @transform_1, window_bounds = array<i64: 1, 1>}, {}]} {
    %get3A = arith.constant 0 : index
    %get3A_0 = arith.constant 0 : index
    %get3A_1 = vector.load %arg1[%get3A, %get3A_0] : memref<8x100000xf32, #tpu.memory_space<vmem>>, vector<8x100000xf32>
    %swap3A = arith.constant 0 : index
    %swap3A_2 = arith.constant 0 : index
    %swap3A_3 = vector.load %arg4[%swap3A, %swap3A_2] : memref<8x100096xf32, #tpu.memory_space<vmem>>, vector<8x100000xf32>
    tpu.vector_store %arg4[%swap3A, %swap3A_2], %get3A_1 {strides = array<i32>} : memref<8x100096xf32, #tpu.memory_space<vmem>>, vector<8x100000xf32>,
    %mul3A = arith.constant 8 : i32
    %mul3A_4 = arith.muli %arg0, %mul3A : i32
    %add3A = arith.constant 0 : i32
    %add3A_5 = arith.addi %mul3A_4, %add3A : i32
    %mul3A_6 = arith.constant 100096 : i32
    %mul3A_7 = arith.muli %add3A_5, %mul3A_6 : i32
    %mul3A_8 = arith.constant 8 : i32
    %mul3A_9 = arith.muli %arg0, %mul3A_8 : i32
    %add3A_10 = arith.constant 1 : i32
    %add3A_11 = arith.addi %mul3A_9, %add3A_10 : i32
    %mul3A_12 = arith.constant 100096 : i32
    %mul3A_13 = arith.muli %add3A_11, %mul3A_12 : i32
    %mul3A_14 = arith.constant 8 : i32
    %mul3A_15 = arith.muli %arg0, %mul3A_14 : i32
    %add3A_16 = arith.constant 2 : i32
    %add3A_17 = arith.addi %mul3A_15, %add3A_16 : i32
    %mul3A_18 = arith.constant 100096 : i32
    %mul3A_19 = arith.muli %add3A_17, %mul3A_18 : i32
    %mul3A_20 = arith.constant 8 : i32
    %mul3A_21 = arith.muli %arg0, %mul3A_20 : i32
    %add3A_22 = arith.constant 3 : i32
    %add3A_23 = arith.addi %mul3A_21, %add3A_22 : i32
    %mul3A_24 = arith.constant 100096 : i32
    %mul3A_25 = arith.muli %add3A_23, %mul3A_24 : i32
    %mul3A_26 = arith.constant 8 : i32
    %mul3A_27 = arith.muli %arg0, %mul3A_26 : i32
    %add3A_28 = arith.constant 4 : i32
    %add3A_29 = arith.addi %mul3A_27, %add3A_28 : i32
    %mul3A_30 = arith.constant 100096 : i32
    %mul3A_31 = arith.muli %add3A_29, %mul3A_30 : i32
    %mul3A_32 = arith.constant 8 : i32
    %mul3A_33 = arith.muli %arg0, %mul3A_32 : i32
    %add3A_34 = arith.constant 5 : i32
    %add3A_35 = arith.addi %mul3A_33, %add3A_34 : i32
    %mul3A_36 = arith.constant 100096 : i32
    %mul3A_37 = arith.muli %add3A_35, %mul3A_36 : i32
    %mul3A_38 = arith.constant 8 : i32
    %mul3A_39 = arith.muli %arg0, %mul3A_38 : i32
    %add3A_40 = arith.constant 6 : i32
    %add3A_41 = arith.addi %mul3A_39, %add3A_40 : i32
    %mul3A_42 = arith.constant 100096 : i32
    %mul3A_43 = arith.muli %add3A_41, %mul3A_42 : i32
    %mul3A_44 = arith.constant 8 : i32
    %mul3A_45 = arith.muli %arg0, %mul3A_44 : i32
    %add3A_46 = arith.constant 7 : i32
    %add3A_47 = arith.addi %mul3A_45, %add3A_46 : i32
    %mul3A_48 = arith.constant 100096 : i32
    %mul3A_49 = arith.muli %add3A_47, %mul3A_48 : i32
    %dma_start3A = arith.constant 0 : i32
    %dma_start3A_50 = tpu.memref_slice %arg3[%mul3A_7] : memref<51249152xf32, #tpu.memory_space<any>> -> memref<100096xf32, #tpu.memory_space<any>>
    %dma_start3A_51 = arith.constant 0 : i32
    %dma_start3A_52 = tpu.memref_slice %arg4[%dma_start3A, %dma_start3A_51] : memref<8x100096xf32, #tpu.memory_space<vmem>> -> memref<1x100096xf32, #tpu.memory_space<vmem>>
    %dma_start3A_53 = tpu.memref_squeeze %dma_start3A_52 : memref<1x100096xf32, #tpu.memory_space<vmem>> -> memref<100096xf32, #tpu.memory_space<vmem>>
    tpu.enqueue_dma source(%dma_start3A_53 : memref<100096xf32, #tpu.memory_space<vmem>>) target(%dma_start3A_50 : memref<100096xf32, #tpu.memory_space<any>>) target_semaphore(%arg5 : memref<!tpu.dma_semaphore, #tpu.memory_space<semaphore_mem>>)
    %dma_start3A_54 = arith.constant 1 : i32
    %dma_start3A_55 = tpu.memref_slice %arg3[%mul3A_13] : memref<51249152xf32, #tpu.memory_space<any>> -> memref<100096xf32, #tpu.memory_space<any>>
    %dma_start3A_56 = arith.constant 0 : i32
    %dma_start3A_57 = tpu.memref_slice %arg4[%dma_start3A_54, %dma_start3A_56] : memref<8x100096xf32, #tpu.memory_space<vmem>> -> memref<1x100096xf32, #tpu.memory_space<vmem>>
    %dma_start3A_58 = tpu.memref_squeeze %dma_start3A_57 : memref<1x100096xf32, #tpu.memory_space<vmem>> -> memref<100096xf32, #tpu.memory_space<vmem>>
    tpu.enqueue_dma source(%dma_start3A_58 : memref<100096xf32, #tpu.memory_space<vmem>>) target(%dma_start3A_55 : memref<100096xf32, #tpu.memory_space<any>>) target_semaphore(%arg5 : memref<!tpu.dma_semaphore, #tpu.memory_space<semaphore_mem>>)
    %dma_start3A_59 = arith.constant 2 : i32
    %dma_start3A_60 = tpu.memref_slice %arg3[%mul3A_19] : memref<51249152xf32, #tpu.memory_space<any>> -> memref<100096xf32, #tpu.memory_space<any>>
    %dma_start3A_61 = arith.constant 0 : i32
    %dma_start3A_62 = tpu.memref_slice %arg4[%dma_start3A_59, %dma_start3A_61] : memref<8x100096xf32, #tpu.memory_space<vmem>> -> memref<1x100096xf32, #tpu.memory_space<vmem>>
    %dma_start3A_63 = tpu.memref_squeeze %dma_start3A_62 : memref<1x100096xf32, #tpu.memory_space<vmem>> -> memref<100096xf32, #tpu.memory_space<vmem>>
    tpu.enqueue_dma source(%dma_start3A_63 : memref<100096xf32, #tpu.memory_space<vmem>>) target(%dma_start3A_60 : memref<100096xf32, #tpu.memory_space<any>>) target_semaphore(%arg5 : memref<!tpu.dma_semaphore, #tpu.memory_space<semaphore_mem>>)
    %dma_start3A_64 = arith.constant 3 : i32
    %dma_start3A_65 = tpu.memref_slice %arg3[%mul3A_25] : memref<51249152xf32, #tpu.memory_space<any>> -> memref<100096xf32, #tpu.memory_space<any>>
    %dma_start3A_66 = arith.constant 0 : i32
    %dma_start3A_67 = tpu.memref_slice %arg4[%dma_start3A_64, %dma_start3A_66] : memref<8x100096xf32, #tpu.memory_space<vmem>> -> memref<1x100096xf32, #tpu.memory_space<vmem>>
    %dma_start3A_68 = tpu.memref_squeeze %dma_start3A_67 : memref<1x100096xf32, #tpu.memory_space<vmem>> -> memref<100096xf32, #tpu.memory_space<vmem>>
    tpu.enqueue_dma source(%dma_start3A_68 : memref<100096xf32, #tpu.memory_space<vmem>>) target(%dma_start3A_65 : memref<100096xf32, #tpu.memory_space<any>>) target_semaphore(%arg5 : memref<!tpu.dma_semaphore, #tpu.memory_space<semaphore_mem>>)
    %dma_start3A_69 = arith.constant 4 : i32
    %dma_start3A_70 = tpu.memref_slice %arg3[%mul3A_31] : memref<51249152xf32, #tpu.memory_space<any>> -> memref<100096xf32, #tpu.memory_space<any>>
    %dma_start3A_71 = arith.constant 0 : i32
    %dma_start3A_72 = tpu.memref_slice %arg4[%dma_start3A_69, %dma_start3A_71] : memref<8x100096xf32, #tpu.memory_space<vmem>> -> memref<1x100096xf32, #tpu.memory_space<vmem>>
    %dma_start3A_73 = tpu.memref_squeeze %dma_start3A_72 : memref<1x100096xf32, #tpu.memory_space<vmem>> -> memref<100096xf32, #tpu.memory_space<vmem>>
    tpu.enqueue_dma source(%dma_start3A_73 : memref<100096xf32, #tpu.memory_space<vmem>>) target(%dma_start3A_70 : memref<100096xf32, #tpu.memory_space<any>>) target_semaphore(%arg5 : memref<!tpu.dma_semaphore, #tpu.memory_space<semaphore_mem>>)
    %dma_start3A_74 = arith.constant 5 : i32
    %dma_start3A_75 = tpu.memref_slice %arg3[%mul3A_37] : memref<51249152xf32, #tpu.memory_space<any>> -> memref<100096xf32, #tpu.memory_space<any>>
    %dma_start3A_76 = arith.constant 0 : i32
    %dma_start3A_77 = tpu.memref_slice %arg4[%dma_start3A_74, %dma_start3A_76] : memref<8x100096xf32, #tpu.memory_space<vmem>> -> memref<1x100096xf32, #tpu.memory_space<vmem>>
    %dma_start3A_78 = tpu.memref_squeeze %dma_start3A_77 : memref<1x100096xf32, #tpu.memory_space<vmem>> -> memref<100096xf32, #tpu.memory_space<vmem>>
    tpu.enqueue_dma source(%dma_start3A_78 : memref<100096xf32, #tpu.memory_space<vmem>>) target(%dma_start3A_75 : memref<100096xf32, #tpu.memory_space<any>>) target_semaphore(%arg5 : memref<!tpu.dma_semaphore, #tpu.memory_space<semaphore_mem>>)
    %dma_start3A_79 = arith.constant 6 : i32
    %dma_start3A_80 = tpu.memref_slice %arg3[%mul3A_43] : memref<51249152xf32, #tpu.memory_space<any>> -> memref<100096xf32, #tpu.memory_space<any>>
    %dma_start3A_81 = arith.constant 0 : i32
    %dma_start3A_82 = tpu.memref_slice %arg4[%dma_start3A_79, %dma_start3A_81] : memref<8x100096xf32, #tpu.memory_space<vmem>> -> memref<1x100096xf32, #tpu.memory_space<vmem>>
    %dma_start3A_83 = tpu.memref_squeeze %dma_start3A_82 : memref<1x100096xf32, #tpu.memory_space<vmem>> -> memref<100096xf32, #tpu.memory_space<vmem>>
    tpu.enqueue_dma source(%dma_start3A_83 : memref<100096xf32, #tpu.memory_space<vmem>>) target(%dma_start3A_80 : memref<100096xf32, #tpu.memory_space<any>>) target_semaphore(%arg5 : memref<!tpu.dma_semaphore, #tpu.memory_space<semaphore_mem>>)
    %dma_start3A_84 = arith.constant 7 : i32
    %dma_start3A_85 = tpu.memref_slice %arg3[%mul3A_49] : memref<51249152xf32, #tpu.memory_space<any>> -> memref<100096xf32, #tpu.memory_space<any>>
    %dma_start3A_86 = arith.constant 0 : i32
    %dma_start3A_87 = tpu.memref_slice %arg4[%dma_start3A_84, %dma_start3A_86] : memref<8x100096xf32, #tpu.memory_space<vmem>> -> memref<1x100096xf32, #tpu.memory_space<vmem>>
    %dma_start3A_88 = tpu.memref_squeeze %dma_start3A_87 : memref<1x100096xf32, #tpu.memory_space<vmem>> -> memref<100096xf32, #tpu.memory_space<vmem>>
    tpu.enqueue_dma source(%dma_start3A_88 : memref<100096xf32, #tpu.memory_space<vmem>>) target(%dma_start3A_85 : memref<100096xf32, #tpu.memory_space<any>>) target_semaphore(%arg5 : memref<!tpu.dma_semaphore, #tpu.memory_space<semaphore_mem>>)
    %max3A = arith.constant 0.000000e+00 : f32
    %max3A_89 = vector.broadcast %max3A : f32 to vector<8x100000xf32>
    %max3A_90 = arith.maximumf %get3A_1, %max3A_89 : vector<8x100000xf32>
    %abs3A = math.absf %get3A_1 : vector<8x100000xf32>
    %neg3A = arith.constant 0.000000e+00 : f32
    %neg3A_91 = vector.broadcast %neg3A : f32 to vector<8x100000xf32>
    %neg3A_92 = arith.subf %neg3A_91, %abs3A : vector<8x100000xf32>
    %exp3A = math.exp %neg3A_92 : vector<8x100000xf32>
    %add3A_93 = arith.constant 1.000000e+00 : f32
    %add3A_94 = vector.broadcast %add3A_93 : f32 to vector<8x100000xf32>
    %add3A_95 = arith.addf %add3A_94, %exp3A : vector<8x100000xf32>
    %log3A = math.log %add3A_95 : vector<8x100000xf32>
    %add3A_96 = arith.addf %max3A_90, %log3A : vector<8x100000xf32>
    %reduce_sum3A = vector.shape_cast %add3A_96 : vector<8x100000xf32> to vector<1x8x100000xf32>
    %reduce_sum3A_97 = arith.constant dense<0.000000e+00> : vector<1xf32>
    %reduce_sum3A_98 = vector.multi_reduction <add>, %reduce_sum3A, %reduce_sum3A_97 [1, 2] : vector<1x8x100000xf32> to vector<1xf32>
    %reduce_sum3A_99 = vector.shape_cast %reduce_sum3A_98 : vector<1xf32> to vector<1x1x1xf32>
    %reduce_sum3A_100 = vector.extract %reduce_sum3A_99[0, 0, 0] : f32 from vector<1x1x1xf32>
    %eq3A = arith.constant 0 : i32
    %eq3A_101 = arith.cmpi eq, %arg0, %eq3A : i32
    %convert_element_type3A = arith.extui %eq3A_101 : i1 to i32
    %cond3A = arith.constant 0 : i32
    %cond3A_102 = arith.cmpi ne, %convert_element_type3A, %cond3A : i32
    scf.if %cond3A_102 {
      %broadcast_in_dim3A_149 = arith.constant 0.000000e+00 : f32
      %broadcast_in_dim3A_150 = vector.broadcast %broadcast_in_dim3A_149 : f32 to vector<1x1xf32>
      %swap3A_151 = arith.constant 0 : index
      %swap3A_152 = arith.constant 0 : index
      %swap3A_153 = vector.load %arg2[%swap3A_151, %swap3A_152] : memref<1x1xf32, #tpu.memory_space<vmem>>, vector<1x1xf32>
      tpu.vector_store %arg2[%swap3A_151, %swap3A_152], %broadcast_in_dim3A_150 {strides = array<i32>} : memref<1x1xf32, #tpu.memory_space<vmem>>, vector<1x1xf32>,
    } else {
    }
    %get3A_103 = arith.constant 0 : index
    %get3A_104 = arith.constant 0 : index
    %get3A_105 = vector.load %arg2[%get3A_103, %get3A_104] : memref<1x1xf32, #tpu.memory_space<vmem>>, vector<1x1xf32>
    %broadcast_in_dim3A = vector.broadcast %reduce_sum3A_100 : f32 to vector<1x1xf32>
    %add3A_106 = arith.addf %get3A_105, %broadcast_in_dim3A : vector<1x1xf32>
    %swap3A_107 = arith.constant 0 : index
    %swap3A_108 = arith.constant 0 : index
    %swap3A_109 = vector.load %arg2[%swap3A_107, %swap3A_108] : memref<1x1xf32, #tpu.memory_space<vmem>>, vector<1x1xf32>
    tpu.vector_store %arg2[%swap3A_107, %swap3A_108], %add3A_106 {strides = array<i32>} : memref<1x1xf32, #tpu.memory_space<vmem>>, vector<1x1xf32>,
    %dma_wait3A = arith.constant 0 : i32
    %dma_wait3A_110 = tpu.memref_slice %arg3[%mul3A_7] : memref<51249152xf32, #tpu.memory_space<any>> -> memref<100096xf32, #tpu.memory_space<any>>
    %dma_wait3A_111 = arith.constant 0 : i32
    %dma_wait3A_112 = tpu.memref_slice %arg4[%dma_wait3A, %dma_wait3A_111] : memref<8x100096xf32, #tpu.memory_space<vmem>> -> memref<1x100096xf32, #tpu.memory_space<vmem>>
    %dma_wait3A_113 = tpu.memref_squeeze %dma_wait3A_112 : memref<1x100096xf32, #tpu.memory_space<vmem>> -> memref<100096xf32, #tpu.memory_space<vmem>>
    tpu.wait_dma2 semaphore(%arg5 : memref<!tpu.dma_semaphore, #tpu.memory_space<semaphore_mem>>) src(%dma_wait3A_113 : memref<100096xf32, #tpu.memory_space<vmem>>) dst(%dma_wait3A_110 : memref<100096xf32, #tpu.memory_space<any>>)
    %dma_wait3A_114 = arith.constant 1 : i32
    %dma_wait3A_115 = tpu.memref_slice %arg3[%mul3A_13] : memref<51249152xf32, #tpu.memory_space<any>> -> memref<100096xf32, #tpu.memory_space<any>>
    %dma_wait3A_116 = arith.constant 0 : i32
    %dma_wait3A_117 = tpu.memref_slice %arg4[%dma_wait3A_114, %dma_wait3A_116] : memref<8x100096xf32, #tpu.memory_space<vmem>> -> memref<1x100096xf32, #tpu.memory_space<vmem>>
    %dma_wait3A_118 = tpu.memref_squeeze %dma_wait3A_117 : memref<1x100096xf32, #tpu.memory_space<vmem>> -> memref<100096xf32, #tpu.memory_space<vmem>>
    tpu.wait_dma2 semaphore(%arg5 : memref<!tpu.dma_semaphore, #tpu.memory_space<semaphore_mem>>) src(%dma_wait3A_118 : memref<100096xf32, #tpu.memory_space<vmem>>) dst(%dma_wait3A_115 : memref<100096xf32, #tpu.memory_space<any>>)
    %dma_wait3A_119 = arith.constant 2 : i32
    %dma_wait3A_120 = tpu.memref_slice %arg3[%mul3A_19] : memref<51249152xf32, #tpu.memory_space<any>> -> memref<100096xf32, #tpu.memory_space<any>>
    %dma_wait3A_121 = arith.constant 0 : i32
    %dma_wait3A_122 = tpu.memref_slice %arg4[%dma_wait3A_119, %dma_wait3A_121] : memref<8x100096xf32, #tpu.memory_space<vmem>> -> memref<1x100096xf32, #tpu.memory_space<vmem>>
    %dma_wait3A_123 = tpu.memref_squeeze %dma_wait3A_122 : memref<1x100096xf32, #tpu.memory_space<vmem>> -> memref<100096xf32, #tpu.memory_space<vmem>>
    tpu.wait_dma2 semaphore(%arg5 : memref<!tpu.dma_semaphore, #tpu.memory_space<semaphore_mem>>) src(%dma_wait3A_123 : memref<100096xf32, #tpu.memory_space<vmem>>) dst(%dma_wait3A_120 : memref<100096xf32, #tpu.memory_space<any>>)
    %dma_wait3A_124 = arith.constant 3 : i32
    %dma_wait3A_125 = tpu.memref_slice %arg3[%mul3A_25] : memref<51249152xf32, #tpu.memory_space<any>> -> memref<100096xf32, #tpu.memory_space<any>>
    %dma_wait3A_126 = arith.constant 0 : i32
    %dma_wait3A_127 = tpu.memref_slice %arg4[%dma_wait3A_124, %dma_wait3A_126] : memref<8x100096xf32, #tpu.memory_space<vmem>> -> memref<1x100096xf32, #tpu.memory_space<vmem>>
    %dma_wait3A_128 = tpu.memref_squeeze %dma_wait3A_127 : memref<1x100096xf32, #tpu.memory_space<vmem>> -> memref<100096xf32, #tpu.memory_space<vmem>>
    tpu.wait_dma2 semaphore(%arg5 : memref<!tpu.dma_semaphore, #tpu.memory_space<semaphore_mem>>) src(%dma_wait3A_128 : memref<100096xf32, #tpu.memory_space<vmem>>) dst(%dma_wait3A_125 : memref<100096xf32, #tpu.memory_space<any>>)
    %dma_wait3A_129 = arith.constant 4 : i32
    %dma_wait3A_130 = tpu.memref_slice %arg3[%mul3A_31] : memref<51249152xf32, #tpu.memory_space<any>> -> memref<100096xf32, #tpu.memory_space<any>>
    %dma_wait3A_131 = arith.constant 0 : i32
    %dma_wait3A_132 = tpu.memref_slice %arg4[%dma_wait3A_129, %dma_wait3A_131] : memref<8x100096xf32, #tpu.memory_space<vmem>> -> memref<1x100096xf32, #tpu.memory_space<vmem>>
    %dma_wait3A_133 = tpu.memref_squeeze %dma_wait3A_132 : memref<1x100096xf32, #tpu.memory_space<vmem>> -> memref<100096xf32, #tpu.memory_space<vmem>>
    tpu.wait_dma2 semaphore(%arg5 : memref<!tpu.dma_semaphore, #tpu.memory_space<semaphore_mem>>) src(%dma_wait3A_133 : memref<100096xf32, #tpu.memory_space<vmem>>) dst(%dma_wait3A_130 : memref<100096xf32, #tpu.memory_space<any>>)
    %dma_wait3A_134 = arith.constant 5 : i32
    %dma_wait3A_135 = tpu.memref_slice %arg3[%mul3A_37] : memref<51249152xf32, #tpu.memory_space<any>> -> memref<100096xf32, #tpu.memory_space<any>>
    %dma_wait3A_136 = arith.constant 0 : i32
    %dma_wait3A_137 = tpu.memref_slice %arg4[%dma_wait3A_134, %dma_wait3A_136] : memref<8x100096xf32, #tpu.memory_space<vmem>> -> memref<1x100096xf32, #tpu.memory_space<vmem>>
    %dma_wait3A_138 = tpu.memref_squeeze %dma_wait3A_137 : memref<1x100096xf32, #tpu.memory_space<vmem>> -> memref<100096xf32, #tpu.memory_space<vmem>>
    tpu.wait_dma2 semaphore(%arg5 : memref<!tpu.dma_semaphore, #tpu.memory_space<semaphore_mem>>) src(%dma_wait3A_138 : memref<100096xf32, #tpu.memory_space<vmem>>) dst(%dma_wait3A_135 : memref<100096xf32, #tpu.memory_space<any>>)
    %dma_wait3A_139 = arith.constant 6 : i32
    %dma_wait3A_140 = tpu.memref_slice %arg3[%mul3A_43] : memref<51249152xf32, #tpu.memory_space<any>> -> memref<100096xf32, #tpu.memory_space<any>>
    %dma_wait3A_141 = arith.constant 0 : i32
    %dma_wait3A_142 = tpu.memref_slice %arg4[%dma_wait3A_139, %dma_wait3A_141] : memref<8x100096xf32, #tpu.memory_space<vmem>> -> memref<1x100096xf32, #tpu.memory_space<vmem>>
    %dma_wait3A_143 = tpu.memref_squeeze %dma_wait3A_142 : memref<1x100096xf32, #tpu.memory_space<vmem>> -> memref<100096xf32, #tpu.memory_space<vmem>>
    tpu.wait_dma2 semaphore(%arg5 : memref<!tpu.dma_semaphore, #tpu.memory_space<semaphore_mem>>) src(%dma_wait3A_143 : memref<100096xf32, #tpu.memory_space<vmem>>) dst(%dma_wait3A_140 : memref<100096xf32, #tpu.memory_space<any>>)
    %dma_wait3A_144 = arith.constant 7 : i32
    %dma_wait3A_145 = tpu.memref_slice %arg3[%mul3A_49] : memref<51249152xf32, #tpu.memory_space<any>> -> memref<100096xf32, #tpu.memory_space<any>>
    %dma_wait3A_146 = arith.constant 0 : i32
    %dma_wait3A_147 = tpu.memref_slice %arg4[%dma_wait3A_144, %dma_wait3A_146] : memref<8x100096xf32, #tpu.memory_space<vmem>> -> memref<1x100096xf32, #tpu.memory_space<vmem>>
    %dma_wait3A_148 = tpu.memref_squeeze %dma_wait3A_147 : memref<1x100096xf32, #tpu.memory_space<vmem>> -> memref<100096xf32, #tpu.memory_space<vmem>>
    tpu.wait_dma2 semaphore(%arg5 : memref<!tpu.dma_semaphore, #tpu.memory_space<semaphore_mem>>) src(%dma_wait3A_148 : memref<100096xf32, #tpu.memory_space<vmem>>) dst(%dma_wait3A_145 : memref<100096xf32, #tpu.memory_space<any>>)
    return
  }
  func.func @transform_0(%arg0: i32) -> (i32, i32) {
    %add3A = arith.constant 0 : i32
    %add3A_0 = arith.addi %arg0, %add3A : i32
    %c0_i32 = arith.constant 0 : i32
    %c0_i32_1 = arith.constant 0 : i32
    return %add3A_0, %c0_i32 : i32, i32
  }
  func.func @transform_1(%arg0: i32) -> (i32, i32) {
    %c0_i32 = arith.constant 0 : i32
    %c0_i32_0 = arith.constant 0 : i32
    %c0_i32_1 = arith.constant 0 : i32
    return %c0_i32, %c0_i32_0 : i32, i32
  }
}

module attributes {stable_mosaic.version = 14 : i64} {
  func.func @_dense_body(%arg0: i32, %arg1: memref<8x100000xf32, #tpu.memory_space<vmem>>, %arg2: memref<1x1xf32, #tpu.memory_space<vmem>>, %arg3: memref<51249152xf32, #tpu.memory_space<any>>, %arg4: memref<8x100096xf32, #tpu.memory_space<vmem>>, %arg5: memref<!tpu.dma_semaphore, #tpu.memory_space<semaphore_mem>>) attributes {dimension_semantics = [#tpu.dimension_semantics<arbitrary>], iteration_bounds = array<i64: 64>, scalar_prefetch = 0 : i64, scratch_operands = 2 : i64, tpu.core_type = #tpu.core_type<tc>, window_params = [{transform_indices = @transform_0, window_bounds = array<i64: 8, 100000>}, {pipeline_mode = #tpu.pipeline_mode<synchronous>, transform_indices = @transform_1, window_bounds = array<i64: 1, 1>}, {}]} {
    %get3A = arith.constant 0 : index
    %get3A_0 = arith.constant 0 : index
    %get3A_1 = vector.load %arg1[%get3A, %get3A_0] : memref<8x100000xf32, #tpu.memory_space<vmem>>, vector<8x100000xf32>
    %swap3A = arith.constant 0 : index
    %swap3A_2 = arith.constant 0 : index
    %swap3A_3 = vector.load %arg4[%swap3A, %swap3A_2] : memref<8x100096xf32, #tpu.memory_space<vmem>>, vector<8x100000xf32>
    tpu.vector_store %arg4[%swap3A, %swap3A_2], %get3A_1 {strides = array<i32>} : memref<8x100096xf32, #tpu.memory_space<vmem>>, vector<8x100000xf32>,
    %mul3A = arith.constant 8 : i32
    %mul3A_4 = arith.muli %arg0, %mul3A : i32
    %add3A = arith.constant 0 : i32
    %add3A_5 = arith.addi %mul3A_4, %add3A : i32
    %mul3A_6 = arith.constant 100096 : i32
    %mul3A_7 = arith.muli %add3A_5, %mul3A_6 : i32
    %mul3A_8 = arith.constant 8 : i32
    %mul3A_9 = arith.muli %arg0, %mul3A_8 : i32
    %add3A_10 = arith.constant 1 : i32
    %add3A_11 = arith.addi %mul3A_9, %add3A_10 : i32
    %mul3A_12 = arith.constant 100096 : i32
    %mul3A_13 = arith.muli %add3A_11, %mul3A_12 : i32
    %mul3A_14 = arith.constant 8 : i32
    %mul3A_15 = arith.muli %arg0, %mul3A_14 : i32
    %add3A_16 = arith.constant 2 : i32
    %add3A_17 = arith.addi %mul3A_15, %add3A_16 : i32
    %mul3A_18 = arith.constant 100096 : i32
    %mul3A_19 = arith.muli %add3A_17, %mul3A_18 : i32
    %mul3A_20 = arith.constant 8 : i32
    %mul3A_21 = arith.muli %arg0, %mul3A_20 : i32
    %add3A_22 = arith.constant 3 : i32
    %add3A_23 = arith.addi %mul3A_21, %add3A_22 : i32
    %mul3A_24 = arith.constant 100096 : i32
    %mul3A_25 = arith.muli %add3A_23, %mul3A_24 : i32
    %mul3A_26 = arith.constant 8 : i32
    %mul3A_27 = arith.muli %arg0, %mul3A_26 : i32
    %add3A_28 = arith.constant 4 : i32
    %add3A_29 = arith.addi %mul3A_27, %add3A_28 : i32
    %mul3A_30 = arith.constant 100096 : i32
    %mul3A_31 = arith.muli %add3A_29, %mul3A_30 : i32
    %mul3A_32 = arith.constant 8 : i32
    %mul3A_33 = arith.muli %arg0, %mul3A_32 : i32
    %add3A_34 = arith.constant 5 : i32
    %add3A_35 = arith.addi %mul3A_33, %add3A_34 : i32
    %mul3A_36 = arith.constant 100096 : i32
    %mul3A_37 = arith.muli %add3A_35, %mul3A_36 : i32
    %mul3A_38 = arith.constant 8 : i32
    %mul3A_39 = arith.muli %arg0, %mul3A_38 : i32
    %add3A_40 = arith.constant 6 : i32
    %add3A_41 = arith.addi %mul3A_39, %add3A_40 : i32
    %mul3A_42 = arith.constant 100096 : i32
    %mul3A_43 = arith.muli %add3A_41, %mul3A_42 : i32
    %mul3A_44 = arith.constant 8 : i32
    %mul3A_45 = arith.muli %arg0, %mul3A_44 : i32
    %add3A_46 = arith.constant 7 : i32
    %add3A_47 = arith.addi %mul3A_45, %add3A_46 : i32
    %mul3A_48 = arith.constant 100096 : i32
    %mul3A_49 = arith.muli %add3A_47, %mul3A_48 : i32
    %dma_start3A = arith.constant 0 : i32
    %dma_start3A_50 = tpu.memref_slice %arg3[%mul3A_7] : memref<51249152xf32, #tpu.memory_space<any>> -> memref<100096xf32, #tpu.memory_space<any>>
    %dma_start3A_51 = arith.constant 0 : i32
    %dma_start3A_52 = tpu.memref_slice %arg4[%dma_start3A, %dma_start3A_51] : memref<8x100096xf32, #tpu.memory_space<vmem>> -> memref<1x100096xf32, #tpu.memory_space<vmem>>
    %dma_start3A_53 = tpu.memref_squeeze %dma_start3A_52 : memref<1x100096xf32, #tpu.memory_space<vmem>> -> memref<100096xf32, #tpu.memory_space<vmem>>
    tpu.enqueue_dma source(%dma_start3A_53 : memref<100096xf32, #tpu.memory_space<vmem>>) target(%dma_start3A_50 : memref<100096xf32, #tpu.memory_space<any>>) target_semaphore(%arg5 : memref<!tpu.dma_semaphore, #tpu.memory_space<semaphore_mem>>)
    %dma_start3A_54 = arith.constant 1 : i32
    %dma_start3A_55 = tpu.memref_slice %arg3[%mul3A_13] : memref<51249152xf32, #tpu.memory_space<any>> -> memref<100096xf32, #tpu.memory_space<any>>
    %dma_start3A_56 = arith.constant 0 : i32
    %dma_start3A_57 = tpu.memref_slice %arg4[%dma_start3A_54, %dma_start3A_56] : memref<8x100096xf32, #tpu.memory_space<vmem>> -> memref<1x100096xf32, #tpu.memory_space<vmem>>
    %dma_start3A_58 = tpu.memref_squeeze %dma_start3A_57 : memref<1x100096xf32, #tpu.memory_space<vmem>> -> memref<100096xf32, #tpu.memory_space<vmem>>
    tpu.enqueue_dma source(%dma_start3A_58 : memref<100096xf32, #tpu.memory_space<vmem>>) target(%dma_start3A_55 : memref<100096xf32, #tpu.memory_space<any>>) target_semaphore(%arg5 : memref<!tpu.dma_semaphore, #tpu.memory_space<semaphore_mem>>)
    %dma_start3A_59 = arith.constant 2 : i32
    %dma_start3A_60 = tpu.memref_slice %arg3[%mul3A_19] : memref<51249152xf32, #tpu.memory_space<any>> -> memref<100096xf32, #tpu.memory_space<any>>
    %dma_start3A_61 = arith.constant 0 : i32
    %dma_start3A_62 = tpu.memref_slice %arg4[%dma_start3A_59, %dma_start3A_61] : memref<8x100096xf32, #tpu.memory_space<vmem>> -> memref<1x100096xf32, #tpu.memory_space<vmem>>
    %dma_start3A_63 = tpu.memref_squeeze %dma_start3A_62 : memref<1x100096xf32, #tpu.memory_space<vmem>> -> memref<100096xf32, #tpu.memory_space<vmem>>
    tpu.enqueue_dma source(%dma_start3A_63 : memref<100096xf32, #tpu.memory_space<vmem>>) target(%dma_start3A_60 : memref<100096xf32, #tpu.memory_space<any>>) target_semaphore(%arg5 : memref<!tpu.dma_semaphore, #tpu.memory_space<semaphore_mem>>)
    %dma_start3A_64 = arith.constant 3 : i32
    %dma_start3A_65 = tpu.memref_slice %arg3[%mul3A_25] : memref<51249152xf32, #tpu.memory_space<any>> -> memref<100096xf32, #tpu.memory_space<any>>
    %dma_start3A_66 = arith.constant 0 : i32
    %dma_start3A_67 = tpu.memref_slice %arg4[%dma_start3A_64, %dma_start3A_66] : memref<8x100096xf32, #tpu.memory_space<vmem>> -> memref<1x100096xf32, #tpu.memory_space<vmem>>
    %dma_start3A_68 = tpu.memref_squeeze %dma_start3A_67 : memref<1x100096xf32, #tpu.memory_space<vmem>> -> memref<100096xf32, #tpu.memory_space<vmem>>
    tpu.enqueue_dma source(%dma_start3A_68 : memref<100096xf32, #tpu.memory_space<vmem>>) target(%dma_start3A_65 : memref<100096xf32, #tpu.memory_space<any>>) target_semaphore(%arg5 : memref<!tpu.dma_semaphore, #tpu.memory_space<semaphore_mem>>)
    %dma_start3A_69 = arith.constant 4 : i32
    %dma_start3A_70 = tpu.memref_slice %arg3[%mul3A_31] : memref<51249152xf32, #tpu.memory_space<any>> -> memref<100096xf32, #tpu.memory_space<any>>
    %dma_start3A_71 = arith.constant 0 : i32
    %dma_start3A_72 = tpu.memref_slice %arg4[%dma_start3A_69, %dma_start3A_71] : memref<8x100096xf32, #tpu.memory_space<vmem>> -> memref<1x100096xf32, #tpu.memory_space<vmem>>
    %dma_start3A_73 = tpu.memref_squeeze %dma_start3A_72 : memref<1x100096xf32, #tpu.memory_space<vmem>> -> memref<100096xf32, #tpu.memory_space<vmem>>
    tpu.enqueue_dma source(%dma_start3A_73 : memref<100096xf32, #tpu.memory_space<vmem>>) target(%dma_start3A_70 : memref<100096xf32, #tpu.memory_space<any>>) target_semaphore(%arg5 : memref<!tpu.dma_semaphore, #tpu.memory_space<semaphore_mem>>)
    %dma_start3A_74 = arith.constant 5 : i32
    %dma_start3A_75 = tpu.memref_slice %arg3[%mul3A_37] : memref<51249152xf32, #tpu.memory_space<any>> -> memref<100096xf32, #tpu.memory_space<any>>
    %dma_start3A_76 = arith.constant 0 : i32
    %dma_start3A_77 = tpu.memref_slice %arg4[%dma_start3A_74, %dma_start3A_76] : memref<8x100096xf32, #tpu.memory_space<vmem>> -> memref<1x100096xf32, #tpu.memory_space<vmem>>
    %dma_start3A_78 = tpu.memref_squeeze %dma_start3A_77 : memref<1x100096xf32, #tpu.memory_space<vmem>> -> memref<100096xf32, #tpu.memory_space<vmem>>
    tpu.enqueue_dma source(%dma_start3A_78 : memref<100096xf32, #tpu.memory_space<vmem>>) target(%dma_start3A_75 : memref<100096xf32, #tpu.memory_space<any>>) target_semaphore(%arg5 : memref<!tpu.dma_semaphore, #tpu.memory_space<semaphore_mem>>)
    %dma_start3A_79 = arith.constant 6 : i32
    %dma_start3A_80 = tpu.memref_slice %arg3[%mul3A_43] : memref<51249152xf32, #tpu.memory_space<any>> -> memref<100096xf32, #tpu.memory_space<any>>
    %dma_start3A_81 = arith.constant 0 : i32
    %dma_start3A_82 = tpu.memref_slice %arg4[%dma_start3A_79, %dma_start3A_81] : memref<8x100096xf32, #tpu.memory_space<vmem>> -> memref<1x100096xf32, #tpu.memory_space<vmem>>
    %dma_start3A_83 = tpu.memref_squeeze %dma_start3A_82 : memref<1x100096xf32, #tpu.memory_space<vmem>> -> memref<100096xf32, #tpu.memory_space<vmem>>
    tpu.enqueue_dma source(%dma_start3A_83 : memref<100096xf32, #tpu.memory_space<vmem>>) target(%dma_start3A_80 : memref<100096xf32, #tpu.memory_space<any>>) target_semaphore(%arg5 : memref<!tpu.dma_semaphore, #tpu.memory_space<semaphore_mem>>)
    %dma_start3A_84 = arith.constant 7 : i32
    %dma_start3A_85 = tpu.memref_slice %arg3[%mul3A_49] : memref<51249152xf32, #tpu.memory_space<any>> -> memref<100096xf32, #tpu.memory_space<any>>
    %dma_start3A_86 = arith.constant 0 : i32
    %dma_start3A_87 = tpu.memref_slice %arg4[%dma_start3A_84, %dma_start3A_86] : memref<8x100096xf32, #tpu.memory_space<vmem>> -> memref<1x100096xf32, #tpu.memory_space<vmem>>
    %dma_start3A_88 = tpu.memref_squeeze %dma_start3A_87 : memref<1x100096xf32, #tpu.memory_space<vmem>> -> memref<100096xf32, #tpu.memory_space<vmem>>
    tpu.enqueue_dma source(%dma_start3A_88 : memref<100096xf32, #tpu.memory_space<vmem>>) target(%dma_start3A_85 : memref<100096xf32, #tpu.memory_space<any>>) target_semaphore(%arg5 : memref<!tpu.dma_semaphore, #tpu.memory_space<semaphore_mem>>)
    %max3A = arith.constant 0.000000e+00 : f32
    %max3A_89 = vector.broadcast %max3A : f32 to vector<8x100000xf32>
    %max3A_90 = arith.maximumf %get3A_1, %max3A_89 : vector<8x100000xf32>
    %abs3A = math.absf %get3A_1 : vector<8x100000xf32>
    %neg3A = arith.constant 0.000000e+00 : f32
    %neg3A_91 = vector.broadcast %neg3A : f32 to vector<8x100000xf32>
    %neg3A_92 = arith.subf %neg3A_91, %abs3A : vector<8x100000xf32>
    %exp3A = math.exp %neg3A_92 : vector<8x100000xf32>
    %add3A_93 = arith.constant 1.000000e+00 : f32
    %add3A_94 = vector.broadcast %add3A_93 : f32 to vector<8x100000xf32>
    %add3A_95 = arith.addf %add3A_94, %exp3A : vector<8x100000xf32>
    %log3A = math.log %add3A_95 : vector<8x100000xf32>
    %add3A_96 = arith.addf %max3A_90, %log3A : vector<8x100000xf32>
    %reduce_sum3A = vector.shape_cast %add3A_96 : vector<8x100000xf32> to vector<1x8x100000xf32>
    %reduce_sum3A_97 = arith.constant dense<0.000000e+00> : vector<1xf32>
    %reduce_sum3A_98 = vector.multi_reduction <add>, %reduce_sum3A, %reduce_sum3A_97 [1, 2] : vector<1x8x100000xf32> to vector<1xf32>
    %reduce_sum3A_99 = vector.shape_cast %reduce_sum3A_98 : vector<1xf32> to vector<1x1x1xf32>
    %reduce_sum3A_100 = vector.extract %reduce_sum3A_99[0, 0, 0] : f32 from vector<1x1x1xf32>
    %eq3A = arith.constant 0 : i32
    %eq3A_101 = arith.cmpi eq, %arg0, %eq3A : i32
    %convert_element_type3A = arith.extui %eq3A_101 : i1 to i32
    %cond3A = arith.constant 0 : i32
    %cond3A_102 = arith.cmpi ne, %convert_element_type3A, %cond3A : i32
    scf.if %cond3A_102 {
      %broadcast_in_dim3A_149 = arith.constant 0.000000e+00 : f32
      %broadcast_in_dim3A_150 = vector.broadcast %broadcast_in_dim3A_149 : f32 to vector<1x1xf32>
      %swap3A_151 = arith.constant 0 : index
      %swap3A_152 = arith.constant 0 : index
      %swap3A_153 = vector.load %arg2[%swap3A_151, %swap3A_152] : memref<1x1xf32, #tpu.memory_space<vmem>>, vector<1x1xf32>
      tpu.vector_store %arg2[%swap3A_151, %swap3A_152], %broadcast_in_dim3A_150 {strides = array<i32>} : memref<1x1xf32, #tpu.memory_space<vmem>>, vector<1x1xf32>,
    } else {
    }
    %get3A_103 = arith.constant 0 : index
    %get3A_104 = arith.constant 0 : index
    %get3A_105 = vector.load %arg2[%get3A_103, %get3A_104] : memref<1x1xf32, #tpu.memory_space<vmem>>, vector<1x1xf32>
    %broadcast_in_dim3A = vector.broadcast %reduce_sum3A_100 : f32 to vector<1x1xf32>
    %add3A_106 = arith.addf %get3A_105, %broadcast_in_dim3A : vector<1x1xf32>
    %swap3A_107 = arith.constant 0 : index
    %swap3A_108 = arith.constant 0 : index
    %swap3A_109 = vector.load %arg2[%swap3A_107, %swap3A_108] : memref<1x1xf32, #tpu.memory_space<vmem>>, vector<1x1xf32>
    tpu.vector_store %arg2[%swap3A_107, %swap3A_108], %add3A_106 {strides = array<i32>} : memref<1x1xf32, #tpu.memory_space<vmem>>, vector<1x1xf32>,
    %dma_wait3A = arith.constant 0 : i32
    %dma_wait3A_110 = tpu.memref_slice %arg3[%mul3A_7] : memref<51249152xf32, #tpu.memory_space<any>> -> memref<100096xf32, #tpu.memory_space<any>>
    %dma_wait3A_111 = arith.constant 0 : i32
    %dma_wait3A_112 = tpu.memref_slice %arg4[%dma_wait3A, %dma_wait3A_111] : memref<8x100096xf32, #tpu.memory_space<vmem>> -> memref<1x100096xf32, #tpu.memory_space<vmem>>
    %dma_wait3A_113 = tpu.memref_squeeze %dma_wait3A_112 : memref<1x100096xf32, #tpu.memory_space<vmem>> -> memref<100096xf32, #tpu.memory_space<vmem>>
    tpu.wait_dma2 semaphore(%arg5 : memref<!tpu.dma_semaphore, #tpu.memory_space<semaphore_mem>>) src(%dma_wait3A_113 : memref<100096xf32, #tpu.memory_space<vmem>>) dst(%dma_wait3A_110 : memref<100096xf32, #tpu.memory_space<any>>)
    %dma_wait3A_114 = arith.constant 1 : i32
    %dma_wait3A_115 = tpu.memref_slice %arg3[%mul3A_13] : memref<51249152xf32, #tpu.memory_space<any>> -> memref<100096xf32, #tpu.memory_space<any>>
    %dma_wait3A_116 = arith.constant 0 : i32
    %dma_wait3A_117 = tpu.memref_slice %arg4[%dma_wait3A_114, %dma_wait3A_116] : memref<8x100096xf32, #tpu.memory_space<vmem>> -> memref<1x100096xf32, #tpu.memory_space<vmem>>
    %dma_wait3A_118 = tpu.memref_squeeze %dma_wait3A_117 : memref<1x100096xf32, #tpu.memory_space<vmem>> -> memref<100096xf32, #tpu.memory_space<vmem>>
    tpu.wait_dma2 semaphore(%arg5 : memref<!tpu.dma_semaphore, #tpu.memory_space<semaphore_mem>>) src(%dma_wait3A_118 : memref<100096xf32, #tpu.memory_space<vmem>>) dst(%dma_wait3A_115 : memref<100096xf32, #tpu.memory_space<any>>)
    %dma_wait3A_119 = arith.constant 2 : i32
    %dma_wait3A_120 = tpu.memref_slice %arg3[%mul3A_19] : memref<51249152xf32, #tpu.memory_space<any>> -> memref<100096xf32, #tpu.memory_space<any>>
    %dma_wait3A_121 = arith.constant 0 : i32
    %dma_wait3A_122 = tpu.memref_slice %arg4[%dma_wait3A_119, %dma_wait3A_121] : memref<8x100096xf32, #tpu.memory_space<vmem>> -> memref<1x100096xf32, #tpu.memory_space<vmem>>
    %dma_wait3A_123 = tpu.memref_squeeze %dma_wait3A_122 : memref<1x100096xf32, #tpu.memory_space<vmem>> -> memref<100096xf32, #tpu.memory_space<vmem>>
    tpu.wait_dma2 semaphore(%arg5 : memref<!tpu.dma_semaphore, #tpu.memory_space<semaphore_mem>>) src(%dma_wait3A_123 : memref<100096xf32, #tpu.memory_space<vmem>>) dst(%dma_wait3A_120 : memref<100096xf32, #tpu.memory_space<any>>)
    %dma_wait3A_124 = arith.constant 3 : i32
    %dma_wait3A_125 = tpu.memref_slice %arg3[%mul3A_25] : memref<51249152xf32, #tpu.memory_space<any>> -> memref<100096xf32, #tpu.memory_space<any>>
    %dma_wait3A_126 = arith.constant 0 : i32
    %dma_wait3A_127 = tpu.memref_slice %arg4[%dma_wait3A_124, %dma_wait3A_126] : memref<8x100096xf32, #tpu.memory_space<vmem>> -> memref<1x100096xf32, #tpu.memory_space<vmem>>
    %dma_wait3A_128 = tpu.memref_squeeze %dma_wait3A_127 : memref<1x100096xf32, #tpu.memory_space<vmem>> -> memref<100096xf32, #tpu.memory_space<vmem>>
    tpu.wait_dma2 semaphore(%arg5 : memref<!tpu.dma_semaphore, #tpu.memory_space<semaphore_mem>>) src(%dma_wait3A_128 : memref<100096xf32, #tpu.memory_space<vmem>>) dst(%dma_wait3A_125 : memref<100096xf32, #tpu.memory_space<any>>)
    %dma_wait3A_129 = arith.constant 4 : i32
    %dma_wait3A_130 = tpu.memref_slice %arg3[%mul3A_31] : memref<51249152xf32, #tpu.memory_space<any>> -> memref<100096xf32, #tpu.memory_space<any>>
    %dma_wait3A_131 = arith.constant 0 : i32
    %dma_wait3A_132 = tpu.memref_slice %arg4[%dma_wait3A_129, %dma_wait3A_131] : memref<8x100096xf32, #tpu.memory_space<vmem>> -> memref<1x100096xf32, #tpu.memory_space<vmem>>
    %dma_wait3A_133 = tpu.memref_squeeze %dma_wait3A_132 : memref<1x100096xf32, #tpu.memory_space<vmem>> -> memref<100096xf32, #tpu.memory_space<vmem>>
    tpu.wait_dma2 semaphore(%arg5 : memref<!tpu.dma_semaphore, #tpu.memory_space<semaphore_mem>>) src(%dma_wait3A_133 : memref<100096xf32, #tpu.memory_space<vmem>>) dst(%dma_wait3A_130 : memref<100096xf32, #tpu.memory_space<any>>)
    %dma_wait3A_134 = arith.constant 5 : i32
    %dma_wait3A_135 = tpu.memref_slice %arg3[%mul3A_37] : memref<51249152xf32, #tpu.memory_space<any>> -> memref<100096xf32, #tpu.memory_space<any>>
    %dma_wait3A_136 = arith.constant 0 : i32
    %dma_wait3A_137 = tpu.memref_slice %arg4[%dma_wait3A_134, %dma_wait3A_136] : memref<8x100096xf32, #tpu.memory_space<vmem>> -> memref<1x100096xf32, #tpu.memory_space<vmem>>
    %dma_wait3A_138 = tpu.memref_squeeze %dma_wait3A_137 : memref<1x100096xf32, #tpu.memory_space<vmem>> -> memref<100096xf32, #tpu.memory_space<vmem>>
    tpu.wait_dma2 semaphore(%arg5 : memref<!tpu.dma_semaphore, #tpu.memory_space<semaphore_mem>>) src(%dma_wait3A_138 : memref<100096xf32, #tpu.memory_space<vmem>>) dst(%dma_wait3A_135 : memref<100096xf32, #tpu.memory_space<any>>)
    %dma_wait3A_139 = arith.constant 6 : i32
    %dma_wait3A_140 = tpu.memref_slice %arg3[%mul3A_43] : memref<51249152xf32, #tpu.memory_space<any>> -> memref<100096xf32, #tpu.memory_space<any>>
    %dma_wait3A_141 = arith.constant 0 : i32
    %dma_wait3A_142 = tpu.memref_slice %arg4[%dma_wait3A_139, %dma_wait3A_141] : memref<8x100096xf32, #tpu.memory_space<vmem>> -> memref<1x100096xf32, #tpu.memory_space<vmem>>
    %dma_wait3A_143 = tpu.memref_squeeze %dma_wait3A_142 : memref<1x100096xf32, #tpu.memory_space<vmem>> -> memref<100096xf32, #tpu.memory_space<vmem>>
    tpu.wait_dma2 semaphore(%arg5 : memref<!tpu.dma_semaphore, #tpu.memory_space<semaphore_mem>>) src(%dma_wait3A_143 : memref<100096xf32, #tpu.memory_space<vmem>>) dst(%dma_wait3A_140 : memref<100096xf32, #tpu.memory_space<any>>)
    %dma_wait3A_144 = arith.constant 7 : i32
    %dma_wait3A_145 = tpu.memref_slice %arg3[%mul3A_49] : memref<51249152xf32, #tpu.memory_space<any>> -> memref<100096xf32, #tpu.memory_space<any>>
    %dma_wait3A_146 = arith.constant 0 : i32
    %dma_wait3A_147 = tpu.memref_slice %arg4[%dma_wait3A_144, %dma_wait3A_146] : memref<8x100096xf32, #tpu.memory_space<vmem>> -> memref<1x100096xf32, #tpu.memory_space<vmem>>
    %dma_wait3A_148 = tpu.memref_squeeze %dma_wait3A_147 : memref<1x100096xf32, #tpu.memory_space<vmem>> -> memref<100096xf32, #tpu.memory_space<vmem>>
    tpu.wait_dma2 semaphore(%arg5 : memref<!tpu.dma_semaphore, #tpu.memory_space<semaphore_mem>>) src(%dma_wait3A_148 : memref<100096xf32, #tpu.memory_space<vmem>>) dst(%dma_wait3A_145 : memref<100096xf32, #tpu.memory_space<any>>)
    return
  }
  func.func @transform_0(%arg0: i32) -> (i32, i32) {
    %add3A = arith.constant 64 : i32
    %add3A_0 = arith.addi %arg0, %add3A : i32
    %c0_i32 = arith.constant 0 : i32
    %c0_i32_1 = arith.constant 0 : i32
    return %add3A_0, %c0_i32 : i32, i32
  }
  func.func @transform_1(%arg0: i32) -> (i32, i32) {
    %c0_i32 = arith.constant 0 : i32
    %c0_i32_0 = arith.constant 0 : i32
    %c0_i32_1 = arith.constant 0 : i32
    return %c0_i32, %c0_i32_0 : i32, i32
  }
}

module attributes {stable_mosaic.version = 14 : i64} {
  func.func @_corr_body(%arg0: i32, %arg1: memref<16x256xi32, #tpu.memory_space<vmem>>, %arg2: memref<16x256xf32, #tpu.memory_space<vmem>>, %arg3: memref<16x256xf32, #tpu.memory_space<vmem>>, %arg4: memref<1x1xf32, #tpu.memory_space<vmem>>) attributes {dimension_semantics = [#tpu.dimension_semantics<arbitrary>], iteration_bounds = array<i64: 64>, scalar_prefetch = 0 : i64, scratch_operands = 0 : i64, tpu.core_type = #tpu.core_type<tc>, window_params = [{transform_indices = @transform_0, window_bounds = array<i64: 16, 256>}, {transform_indices = @transform_1, window_bounds = array<i64: 16, 256>}, {transform_indices = @transform_2, window_bounds = array<i64: 16, 256>}, {pipeline_mode = #tpu.pipeline_mode<synchronous>, transform_indices = @transform_3, window_bounds = array<i64: 1, 1>}]} {
    %get3A = arith.constant 0 : index
    %get3A_0 = arith.constant 0 : index
    %get3A_1 = vector.load %arg1[%get3A, %get3A_0] : memref<16x256xi32, #tpu.memory_space<vmem>>, vector<16x256xi32>
    %get3A_2 = arith.constant 0 : index
    %get3A_3 = arith.constant 0 : index
    %get3A_4 = vector.load %arg2[%get3A_2, %get3A_3] : memref<16x256xf32, #tpu.memory_space<vmem>>, vector<16x256xf32>
    %get3A_5 = arith.constant 0 : index
    %get3A_6 = arith.constant 0 : index
    %get3A_7 = vector.load %arg3[%get3A_5, %get3A_6] : memref<16x256xf32, #tpu.memory_space<vmem>>, vector<16x256xf32>
    %slice3A = vector.extract_strided_slice %get3A_1 {offsets = [0, 0], sizes = [16, 200], strides = [1, 1]} : vector<16x256xi32> to vector<16x200xi32>
    %broadcast_in_dim3A = vector.shape_cast %slice3A : vector<16x200xi32> to vector<16x200x1xi32>
    %broadcast_in_dim3A_8 = vector.shape_cast %get3A_1 : vector<16x256xi32> to vector<16x1x256xi32>
    %eq3A = vector.broadcast %broadcast_in_dim3A : vector<16x200x1xi32> to vector<16x200x256xi32>
    %eq3A_9 = vector.broadcast %broadcast_in_dim3A_8 : vector<16x1x256xi32> to vector<16x200x256xi32>
    %eq3A_10 = arith.cmpi eq, %eq3A, %eq3A_9 : vector<16x200x256xi32>
    %slice3A_11 = vector.extract_strided_slice %get3A_4 {offsets = [0, 0], sizes = [16, 200], strides = [1, 1]} : vector<16x256xf32> to vector<16x200xf32>
    %broadcast_in_dim3A_12 = vector.shape_cast %slice3A_11 : vector<16x200xf32> to vector<16x200x1xf32>
    %jit3A = arith.constant 0.000000e+00 : f32
    %broadcast_in_dim3A_13 = vector.shape_cast %broadcast_in_dim3A_12 : vector<16x200x1xf32> to vector<16x200x1xf32>
    %broadcast_in_dim3A_14 = vector.broadcast %broadcast_in_dim3A_13 : vector<16x200x1xf32> to vector<16x200x256xf32>
    %broadcast_in_dim3A_15 = vector.broadcast %jit3A : f32 to vector<16x200x256xf32>
    %select_n3A = arith.select %eq3A_10, %broadcast_in_dim3A_14, %broadcast_in_dim3A_15 : vector<16x200x256xi1>, vector<16x200x256xf32>
    %reduce_sum3A = arith.constant dense<0.000000e+00> : vector<16x256xf32>
    %reduce_sum3A_16 = vector.multi_reduction <add>, %select_n3A, %reduce_sum3A [1] : vector<16x200x256xf32> to vector<16x256xf32>
    %ne3A = arith.constant 0.000000e+00 : f32
    %ne3A_17 = vector.broadcast %ne3A : f32 to vector<16x256xf32>
    %ne3A_18 = arith.cmpf one, %reduce_sum3A_16, %ne3A_17 : vector<16x256xf32>
    %min3A = arith.constant 1.000000e+00 : f32
    %min3A_19 = vector.broadcast %min3A : f32 to vector<16x256xf32>
    %min3A_20 = arith.minimumf %reduce_sum3A_16, %min3A_19 : vector<16x256xf32>
    %mul3A = arith.mulf %get3A_4, %min3A_20 : vector<16x256xf32>
    %div3A = arith.divf %mul3A, %reduce_sum3A_16 : vector<16x256xf32>
    %jit3A_21 = arith.constant 0.000000e+00 : f32
    %broadcast_in_dim3A_22 = vector.broadcast %jit3A_21 : f32 to vector<16x256xf32>
    %select_n3A_23 = arith.select %ne3A_18, %div3A, %broadcast_in_dim3A_22 : vector<16x256xi1>, vector<16x256xf32>
    %mul3A_24 = arith.mulf %select_n3A_23, %get3A_7 : vector<16x256xf32>
    %reduce_sum3A_25 = vector.shape_cast %mul3A_24 : vector<16x256xf32> to vector<1x16x256xf32>
    %reduce_sum3A_26 = arith.constant dense<0.000000e+00> : vector<1xf32>
    %reduce_sum3A_27 = vector.multi_reduction <add>, %reduce_sum3A_25, %reduce_sum3A_26 [1, 2] : vector<1x16x256xf32> to vector<1xf32>
    %reduce_sum3A_28 = vector.shape_cast %reduce_sum3A_27 : vector<1xf32> to vector<1x1x1xf32>
    %reduce_sum3A_29 = vector.extract %reduce_sum3A_28[0, 0, 0] : f32 from vector<1x1x1xf32>
    %eq3A_30 = arith.constant 0 : i32
    %eq3A_31 = arith.cmpi eq, %arg0, %eq3A_30 : i32
    %convert_element_type3A = arith.extui %eq3A_31 : i1 to i32
    %cond3A = arith.constant 0 : i32
    %cond3A_32 = arith.cmpi ne, %convert_element_type3A, %cond3A : i32
    scf.if %cond3A_32 {
      %broadcast_in_dim3A_39 = arith.constant 0.000000e+00 : f32
      %broadcast_in_dim3A_40 = vector.broadcast %broadcast_in_dim3A_39 : f32 to vector<1x1xf32>
      %swap3A_41 = arith.constant 0 : index
      %swap3A_42 = arith.constant 0 : index
      %swap3A_43 = vector.load %arg4[%swap3A_41, %swap3A_42] : memref<1x1xf32, #tpu.memory_space<vmem>>, vector<1x1xf32>
      tpu.vector_store %arg4[%swap3A_41, %swap3A_42], %broadcast_in_dim3A_40 {strides = array<i32>} : memref<1x1xf32, #tpu.memory_space<vmem>>, vector<1x1xf32>,
    } else {
    }
    %get3A_33 = arith.constant 0 : index
    %get3A_34 = arith.constant 0 : index
    %get3A_35 = vector.load %arg4[%get3A_33, %get3A_34] : memref<1x1xf32, #tpu.memory_space<vmem>>, vector<1x1xf32>
    %broadcast_in_dim3A_36 = vector.broadcast %reduce_sum3A_29 : f32 to vector<1x1xf32>
    %add3A = arith.addf %get3A_35, %broadcast_in_dim3A_36 : vector<1x1xf32>
    %swap3A = arith.constant 0 : index
    %swap3A_37 = arith.constant 0 : index
    %swap3A_38 = vector.load %arg4[%swap3A, %swap3A_37] : memref<1x1xf32, #tpu.memory_space<vmem>>, vector<1x1xf32>
    tpu.vector_store %arg4[%swap3A, %swap3A_37], %add3A {strides = array<i32>} : memref<1x1xf32, #tpu.memory_space<vmem>>, vector<1x1xf32>,
    return
  }
  func.func @transform_0(%arg0: i32) -> (i32, i32) {
    %c0_i32 = arith.constant 0 : i32
    %c0_i32_0 = arith.constant 0 : i32
    return %arg0, %c0_i32 : i32, i32
  }
  func.func @transform_1(%arg0: i32) -> (i32, i32) {
    %c0_i32 = arith.constant 0 : i32
    %c0_i32_0 = arith.constant 0 : i32
    return %arg0, %c0_i32 : i32, i32
  }
  func.func @transform_2(%arg0: i32) -> (i32, i32) {
    %c0_i32 = arith.constant 0 : i32
    %c0_i32_0 = arith.constant 0 : i32
    return %arg0, %c0_i32 : i32, i32
  }
  func.func @transform_3(%arg0: i32) -> (i32, i32) {
    %c0_i32 = arith.constant 0 : i32
    %c0_i32_0 = arith.constant 0 : i32
    %c0_i32_1 = arith.constant 0 : i32
    return %c0_i32, %c0_i32_0 : i32, i32
  }
}

</mosaic_0001>

<sc_bundles>
// kernel: kernel.10.cloned.1.call-start
scs
__scs_entry_jumppad:
0x0: {  	(pc) =	sbr.rel $0x88, $3  }
0x1: {  	(tag) =	ssettag $0x0;
	lr =	simm.s32 $0x1  }
0x2: {  	[smem:$0x3F9E] =	sst lr;
	_ =	strace $0xD0000000  }
0x3: {  	_ = 	snop  }
0x4: {  	_ = 	snop  }
0x5: {  	_ = 	snop  }
0x6: {  	_ = 	snop  }
0x7: {  	_ = 	snop  }
__scs_overlays_trampoline_lowered:
0x8: {  	[smem:$0x3FAD] =	sst s0  }
0x9: {  	[smem:$0x3FAE] =	sst s1  }
0xa: {  	[smem:$0x3FAF] =	sst s2  }
0xb: {  	[smem:$0x3FB0] =	sst s3  }
0xc: {  	[smem:$0x3FB1] =	sst s4  }
0xd: {  	[smem:$0x3FB2] =	sst s5  }
0xe: {  	[smem:$0x3FB3] =	sst s6  }
0xf: {  	[smem:$0x3FB4] =	sst s7  }
0x10: {  	[smem:$0x3FB5] =	sst s8  }
0x11: {  	[smem:$0x3FB6] =	sst s9;
	s0 =	simm.s32 @!p0 $0x0  }
0x12: {  	s1 =	sld [smem:$0x3F9C];
	s0 =	simm.s32 @p0 $0x1  }
0x13: {  	[smem:$0x3FB7] =	sst s0;
	s0 =	simm.s32 @!p1 $0x0  }
0x14: {  	s2 =	sld [smem:$0x3F9B];
	s0 =	simm.s32 @p1 $0x1  }
0x15: {  	[smem:$0x3FB8] =	sst s0;
	s0 =	simm.s32 @!p2 $0x0  }
0x16: {  	s3 =	sld [smem:$0x3FDB];
	s0 =	simm.s32 @p2 $0x1  }
0x17: {  	s4 =	simm.s32 $0x1BF5;
	[smem:$0x3FBA] =	sst s0  }
0x18: {  	s0 =	sld [smem:$0x3F9D];
	_ =	swait.ge [sflag:s4], $0x0  }
0x19: {  	s7 =	sld [smem:$0x3F9E]  }
0x1a: {  	s8 =	sadd.s32 $0xFFFFE003, lr  }
0x1b: {  	s9 =	sadd.s32 $0xFFFFFEF7, lr;
	s5 =	simm.s32 $0xFFFFFFFF;
	p2 =	slt.u32 s8, $0xFFFFF086  }
0x1c: {  	p1 =	slt.u32 s9, $0xF7A;
	s5 =	simm.s32 @!p2 $0x0  }
0x1d: {  	s5 =	simm.s32 @p1 $0x1;
	p0 =	seq.s32 s7, s2  }
0x1e: {  	s7 =	smul.u32 @!p0 $0xF7A, s2;
	p2 =	seq.s32 @!p0 s5, $0x0  }
0x1f: {  	s9 =	smul.u32 $0xF7A, s1;
	s8 =	simm.s32 @!p0 $0x1BF5;
	p2 =	por !p2, p0  }
0x20: {  	[sflag:s8] =	ssyncset.s32 @!p0 $0xFFFFF086;
	s6 =	sadd.s32 @!p0 s3, s7;
	s7 =	simm.s32 @!p0 $0x108  }
0x21: {  	s3 =	sadd.s32 s3, s9;
	s6 =	sadd.s32 @!p0 $0x88, s6;
	s7 =	simm.s32 @p2 $0x1082  }
0x22: {  	[simem:s7], [sflag:s8] =	dma.local @!p0 [hbm:s6], $0xF7A  }
0x23: {  	s9 =	sor.u32 $0xD0000000, s2;
	s6 =	simm.s32 $0x108;
	_ =	swait.ge @!p0 [sflag:s8], $0x0  }
0x24: {  	s3 =	sadd.s32 $0x88, s3;
	s6 =	simm.s32 @!p1 $0x1082;
	[sflag:s4] =	ssyncset.s32 $0xFFFFF086  }
0x25: {  	[simem:s6], [sflag:s4] =	dma.local [hbm:s3], $0xF7A  }
0x26: {  	[smem:$0x3F9E] =	sst s1;
	(tag) =	ssettag s2;
	_ =	strace s9  }
0x27: {  	s1 =	sld [smem:$0x3FAE]  }
0x28: {  	s2 =	sld [smem:$0x3FAF]  }
0x29: {  	s4 =	sld [smem:$0x3FB1]  }
0x2a: {  	p0 =	seq.s32 s5, $0x0;
	s5 =	sld [smem:$0x3FB2]  }
0x2b: {  	s6 =	sld [smem:$0x3FB3]  }
0x2c: {  	s7 =	sld [smem:$0x3FB4]  }
0x2d: {  	s3 =	simm.s32 $0x108;
	s8 =	sld [smem:$0x3FB5]  }
0x2e: {  	s3 =	simm.s32 @!p0 $0x1082;
	s9 =	sld [smem:$0x3FB6]  }
0x2f: {  	lr =	sadd.s32 s0, s3;
	s0 =	sld [smem:$0x3FAD]  }
0x30: {  	s3 =	sld [smem:$0x3FB0]  }
0x31: {  	[smem:$0x3FB9] =	sst s10  }
0x32: {  	s10 =	sld [smem:$0x3FB7];
	_ =	sdelay $0x3  }
0x33: {  	p0 =	seq.s32 s10, $0x1;
	s10 =	sld [smem:$0x3FB9];
	_ =	sdelay $0x3  }
0x34: {  	[smem:$0x3FB9] =	sst s10  }
0x35: {  	s10 =	sld [smem:$0x3FB8];
	_ =	sdelay $0x3  }
0x36: {  	p1 =	seq.s32 s10, $0x1;
	s10 =	sld [smem:$0x3FB9];
	_ =	sdelay $0x3  }
0x37: {  	[smem:$0x3FB9] =	sst s10  }
0x38: {  	s10 =	sld [smem:$0x3FBA]  }
0x39: {  	_ = 	snop;
	(pc) =	sbr.ind lr, $3  }
0x3a: {  	_ = 	snop  }
0x3b: {  	_ = 	snop  }
0x3c: {  	p2 =	seq.s32 s10, $0x1;
	s10 =	sld [smem:$0x3FB9]  }
0x3d: {  	_ =	shalt  }
0x3e: {  	_ =	shalt  }
0x3f: {  	_ =	shalt  }
0x40: {  	_ =	shalt  }
0x41: {  	_ =	shalt  }
0x42: {  	_ =	shalt  }
0x43: {  	_ =	shalt  }
0x44: {  	_ =	shalt  }
0x45: {  	_ =	shalt  }
0x46: {  	_ =	shalt  }
0x47: {  	_ =	shalt  }
0x48: {  	_ =	shalt  }
0x49: {  	_ =	shalt  }
0x4a: {  	_ =	shalt  }
0x4b: {  	_ =	shalt  }
0x4c: {  	_ =	shalt  }
0x4d: {  	_ =	shalt  }
0x4e: {  	_ =	shalt  }
0x4f: {  	_ =	shalt  }
0x50: {  	_ =	shalt  }
0x51: {  	_ =	shalt  }
0x52: {  	_ =	shalt  }
0x53: {  	_ =	shalt  }
0x54: {  	_ =	shalt  }
0x55: {  	_ =	shalt  }
0x56: {  	_ =	shalt  }
0x57: {  	_ =	shalt  }
0x58: {  	_ =	shalt  }
0x59: {  	_ =	shalt  }
0x5a: {  	_ =	shalt  }
0x5b: {  	_ =	shalt  }
0x5c: {  	_ =	shalt  }
0x5d: {  	_ =	shalt  }
0x5e: {  	_ =	shalt  }
0x5f: {  	_ =	shalt  }
0x60: {  	_ =	shalt  }
0x61: {  	_ =	shalt  }
0x62: {  	_ =	shalt  }
0x63: {  	_ =	shalt  }
0x64: {  	_ =	shalt  }
0x65: {  	_ =	shalt  }
0x66: {  	_ =	shalt  }
0x67: {  	_ =	shalt  }
0x68: {  	_ =	shalt  }
0x69: {  	_ =	shalt  }
0x6a: {  	_ =	shalt  }
0x6b: {  	_ =	shalt  }
0x6c: {  	_ =	shalt  }
0x6d: {  	_ =	shalt  }
0x6e: {  	_ =	shalt  }
0x6f: {  	_ =	shalt  }
0x70: {  	_ =	shalt  }
0x71: {  	_ =	shalt  }
0x72: {  	_ =	shalt  }
0x73: {  	_ =	shalt  }
0x74: {  	_ =	shalt  }
0x75: {  	_ =	shalt  }
0x76: {  	_ =	shalt  }
0x77: {  	_ =	shalt  }
0x78: {  	_ =	shalt  }
0x79: {  	_ =	shalt  }
0x7a: {  	_ =	shalt  }
0x7b: {  	_ =	shalt  }
0x7c: {  	_ =	shalt  }
0x7d: {  	_ =	shalt  }
0x7e: {  	_ =	shalt  }
0x7f: {  	_ =	shalt  }
0x80: {  	_ =	shalt  }
0x81: {  	_ =	shalt  }
0x82: {  	_ =	shalt  }
0x83: {  	_ =	shalt  }
0x84: {  	_ =	shalt  }
0x85: {  	_ =	shalt  }
0x86: {  	_ =	shalt  }
0x87: {  	_ =	shalt  }
.Lfunc_end0:
.L_simem_size_0:
called_computation.1_lowered:
.L_overlay_start_0:
0x88: {  	s2 =	sld [smem:$0x3FD9]  }
0x89: {  	s3 =	sld [smem:$0x3FFE];
	_ =	sdelay $0x1  }
0x8a: {  	s1 =	srdreg.scid  }
0x8b: {  	s0 =	sand.u32 $0x1, s1  }
0x8c: {  	s17 =	sshll.u32 s0, $0xA;
	s2 =	sadd.s32 s3, s2  }
0x8d: {  	s2 =	sadd.s32 s2, s17  }
0x8e: {  	[smem:$0x3FC5] =	sst s2  }
0x8f: {  	_ = 	snop  }
0x90: {  	(tm) =	ssettm $0x1  }
0x91: {  	s18 =	sld [smem:$0x3FFB];
	_ =	sdelay $0x3  }
0x92: {  	_ =	strace s18  }
0x93: {  	s2 =	sld [smem:$0x3FFC];
	_ =	sdelay $0x3  }
0x94: {  	_ =	strace s2  }
0x95: {  	s2 =	sld [smem:$0x3FFD];
	_ =	sdelay $0x3  }
0x96: {  	_ =	strace s2  }
0x97: {  	_ =	strace $0x8FFFFFFF  }
0x98: {  	s19 =	sld [smem:$0x3FDB];
	_ =	sdelay $0x1  }
0x99: {  	s20 =	simm.s32 $_scs_section_size  }
0x9a: {  	s4 =	simm.s32 $_size__tile_overlayer_lowered;
	s5 =	simm.s32 $_tile_overlayer_lowered  }
0x9b: {  	s6 =	simm.s32 $0x1BFF;
	s21 =	sshll.u32 s5, $0x1;
	s3 =	sadd.s32 s20, s19  }
0x9c: {  	s22 =	simm.s32 $0x0;
	s4 =	sshll.u32 s4, $0x1;
	s5 =	sadd.s32 s21, s3  }
0x9d: {  	[timem:s22], [sflag:s6] =	dma.local [hbm:s5], s4  }
0x9e: {  	_ =	swait.ge [sflag:s6], s4  }
0x9f: {  	s4 =	ssub.s32 $0x0, s4;
	[sflag:s6] =	ssyncset.done $0x0  }
0xa0: {  	[sflag:s6] =	ssyncadd.s32 s4;
	_ =	sdelay $0x1  }
0xa1: {  	s23 =	simm.s32 $0x1B8B  }
0xa2: {  	_ =	swait.ge [sflag:s23], $0x1  }
0xa3: {  	[sflag:s23] =	ssyncset.done $0x0  }
0xa4: {  	[sflag:s23] =	ssyncadd.s32 $0xFFFFFFFF  }
0xa5: {  	s4 =	sld [smem:$0x0]  }
0xa6: {  	s5 =	sand.u32 $0xFFFFFFFE, s1  }
0xa7: {  	p0 =	sne.s32 s1, s5  }
0xa8: {  	s5 =	sshll.u32 @p0 s5, $0xE  }
0xa9: {  	s5 =	sadd.s32 @p0 $0x11B8D, s5;
	s6 =	sshll.u32 @p0 s4, $0x11  }
0xaa: {  	s5 =	sor.u32 @p0 s6, s5  }
0xab: {  	[sflag:s5] =	ssyncadd.remote.s32 @p0 $0x1;
	_ =	sdelay $0x1  }
0xac: {  	s5 =	simm.s32 @p0 $0x1B8D  }
0xad: {  	_ =	swait.eq @p0 [sflag:s5], $0x1  }
0xae: {  	[sflag:s5] =	ssyncadd.s32 @p0 $0xFFFFFFFF  }
0xaf: {  	s6 =	sshll.u32 @!p0 s1, $0xE  }
0xb0: {  	s6 =	sor.u32 @!p0 $0x4000, s6;
	s5 =	simm.s32 @!p0 $0x1B8D  }
0xb1: {  	s4 =	sshll.u32 @!p0 s4, $0x11;
	s6 =	sadd.s32 @!p0 $0x11B8D, s6;
	_ =	swait.eq @!p0 [sflag:s5], $0x1  }
0xb2: {  	s4 =	sor.u32 @!p0 s4, s6;
	[sflag:s5] =	ssyncadd.s32 @!p0 $0xFFFFFFFF  }
0xb3: {  	s25 =	simm.s32 $0x1B8E;
	s24 =	sld [smem:$0x3FFE];
	[sflag:s4] =	ssyncadd.remote.s32 @!p0 $0x1  }
0xb4: {  	s26 =	simm.s32 $execute0_lowered;
	[smem:$0x3FD2] =	sst s25  }
0xb5: {  	s5 =	sshll.u32 s26, $0x1;
	_ =	strace $0x80000049;
	[dreg:$0x1] =	wrdreg $0xFFFFFFFF  }
0xb6: {  	s28 =	simm.s32 $_size_execute0_lowered;
	s3 =	sadd.s32 s3, s5;
	[dreg:$0x0] =	wrdreg $0x0  }
0xb7: {  	s5 =	sshll.u32 s28, $0x1;
	[dreg:$0x2] =	wrdreg s3  }
0xb8: {  	[dreg:$0x3] =	wrdreg s5  }
0xb9: {  	[dreg:$0x4] =	wrdreg $0xC0  }
0xba: {  	_ =	task [dreg:s22], $0x5FFFF  }
0xbb: {  	[dreg:$0x1] =	wrdreg $0xFFFFFFFF  }
0xbc: {  	[dreg:$0x0] =	wrdreg $0x60  }
0xbd: {  	[dreg:$0x2] =	wrdreg s24  }
0xbe: {  	[dreg:$0x3] =	wrdreg $0xA  }
0xbf: {  	_ =	task.clear_ibuf [dreg:s22], $0x4FFFF;
	_ =	strace $0x90000049  }
0xc0: {  	s29 =	simm.s32 $0xA;
	_ =	strace $0x8000004B  }
0xc1: {  	_ =	swait.ge [sflag:s29], $0x1  }
0xc2: {  	[sflag:s29] =	ssyncadd.s32 $0xFFFFFFFF  }
0xc3: {  	_ =	strace $0x9000004B  }
0xc4: {  	_ =	sfence  }
0xc5: {  	s30 =	sld [smem:$0x0];
	_ =	sdelay $0x2  }
0xc6: {  	s31 =	sshll.u32 s1, $0xD;
	s1 =	sshrl.u32 s1, $0x2  }
0xc7: {  	s4 =	sand.u32 $0x4000, s31;
	s1 =	sadd.s32 s1, s30  }
0xc8: {  	s0 =	sor.u32 s4, s0;
	s1 =	sshll.u32 s1, $0x11  }
0xc9: {  	s0 =	sor.u32 s1, s0  }
0xca: {  	s0 =	sadd.s32 $0x8F2B, s0  }
0xcb: {  	[sflag:s0] =	ssyncadd.remote.s32 $0x1  }
0xcc: {  	_ =	sfence.sel $0xFFFF  }
0xcd: {  	[dreg:$0x0] =	wrdreg $0xFFFFFFFF;
	(pc) =	sbr.abs _section_cstart, $3  }
0xce: {  	[dreg:$0x1] =	wrdreg $0xFFFFFFFF  }
0xcf: {  	_ =	task.clear_ibuf [dreg:s22], $0x2FFFF;
	_ =	strace $0x9FFFFFFF  }
0xd0: {  	(tm) =	ssettm $0x7FFFFFFF  }
0xd1: {  	_ =	shalt  }
tec
execute0_lowered:
.L_overlay_start_1:
0x0: {  	(tag) =	ssettag $0x1  }
0x1: {  	s2 =	stileid.u32  }
0x2: {  	s21 =	sshll.u32 s2, $0x1;
	s2 =	sshrl.u32 s2, $0x2  }
0x3: {  	s4 =	rddreg [dreg:$0x0];
	s3 =	smul.u32 $0x6400, s2;
	s2 =	simm.s32 $0x0  }
0x4: {  	s24 =	simm.s32 $0x1080;
	[smem:$0x7FF] =	sst s2  }
0x5: {  	s25 =	simm.s32 $0x100;
	_ =	strace $0x8000004A;
	[dreg:$0x4] =	wrdreg s24  }
0x6: {  	s26 =	simm.s32 $0x1100;
	[dreg:$0x5] =	wrdreg s25  }
0x7: {  	s6 =	simm.s32 $0x200;
	[dreg:$0x6] =	wrdreg s26  }
0x8: {  	s7 =	simm.s32 $0x1200;
	[dreg:$0x9] =	wrdreg s6  }
0x9: {  	s8 =	simm.s32 $0x280;
	[dreg:$0xa] =	wrdreg s7  }
0xa: {  	s9 =	simm.s32 $0x1280;
	[dreg:$0xb] =	wrdreg s8  }
0xb: {  	s10 =	simm.s32 $0x300;
	[dreg:$0xc] =	wrdreg s9  }
0xc: {  	s11 =	simm.s32 $0x1300;
	[dreg:$0xd] =	wrdreg s10  }
0xd: {  	s12 =	simm.s32 $0x380;
	[dreg:$0xe] =	wrdreg s11  }
0xe: {  	s13 =	simm.s32 $0x1380;
	[dreg:$0xf] =	wrdreg s12  }
0xf: {  	s14 =	simm.s32 $0x1400;
	[dreg:$0x10] =	wrdreg s13  }
0x10: {  	s15 =	simm.s32 $0x480;
	[dreg:$0x11] =	wrdreg s14  }
0x11: {  	s16 =	simm.s32 $0x1480;
	[dreg:$0x12] =	wrdreg s15  }
0x12: {  	s0 =	srdreg.scid;
	s17 =	simm.s32 $0x500;
	[dreg:$0x13] =	wrdreg s16  }
0x13: {  	s18 =	simm.s32 $0x1500;
	s19 =	simm.s32 $0x580;
	[dreg:$0x14] =	wrdreg s17  }
0x14: {  	s20 =	simm.s32 $0x1580;
	s1 =	sand.u32 $0x1, s0;
	[dreg:$0x15] =	wrdreg s18  }
0x15: {  	s0 =	sor.u32 s1, s21;
	s21 =	simm.s32 $0x600;
	[dreg:$0x16] =	wrdreg s19  }
0x16: {  	s22 =	sshll.u32 s0, $0x7;
	s0 =	sshll.u32 s0, $0x9;
	[dreg:$0x17] =	wrdreg s20  }
0x17: {  	s5 =	sand.u32 $0x380, s22;
	[dreg:$0x18] =	wrdreg s21;
	s22 =	simm.s32 $0x1600  }
0x18: {  	s0 =	sadd.s32 s0, s4;
	s25 =	simm.s32 $0x1680;
	[dreg:$0x19] =	wrdreg s22  }
0x19: {  	s3 =	sor.u32 s3, s5;
	s0 =	sadd.s32 $0x1A00, s0;
	[dreg:$0x1b] =	wrdreg s25  }
0x1a: {  	s5 =	simm.s32 $0x1180;
	s3 =	sshrl.u32 s3, $0x3;
	[dreg:$0x2] =	wrdreg s0  }
0x1b: {  	[dreg:$0x8] =	wrdreg s5;
	s3 =	sadd.s32 s3, s4  }
0x1c: {  	s24 =	rddreg [dreg:$0x2];
	s23 =	sadd.s32 $0x1255A00, s3  }
0x1d: {  	[tilespmem:s2], [sflag:$0x2] =	stream.linear.gather [hbm4b:s24+s2], $0xC80, $0x38;
	[tilespmem:$0x1C80] =	vst v63  }
0x1e: {  	s3 =	simm.s32 $0x180;
	[dreg:$0x3] =	wrdreg s23  }
0x1f: {  	[dreg:$0x7] =	wrdreg s3;
	s23 =	simm.s32 $0x680  }
0x20: {  	s3 =	simm.s32 $0x2;
	[dreg:$0x1a] =	wrdreg s23  }
0x21: {  	_ =	swait.ge [sflag:s3], $0xC80  }
0x22: {  	s0 =	rddreg [dreg:$0x19]  }
0x23: {  	s8 =	rddreg [dreg:$0x17]  }
0x24: {  	s9 =	rddreg [dreg:$0x15]  }
0x25: {  	s10 =	rddreg [dreg:$0x13]  }
0x26: {  	s11 =	rddreg [dreg:$0x11]  }
0x27: {  	s7 =	rddreg [dreg:$0x10]  }
0x28: {  	s12 =	rddreg [dreg:$0xe]  }
0x29: {  	s13 =	rddreg [dreg:$0xc]  }
0x2a: {  	s6 =	simm.s32 $0x1000;
	s14 =	rddreg [dreg:$0xa]  }
0x2b: {  	s5 =	sadd.s32 $0x125FE00, s4;
	s15 =	rddreg [dreg:$0x5];
	[sflag:s3] =	ssyncset.done $0x0  }
0x2c: {  	s4 =	simm.s32 $0x80;
	s16 =	rddreg [dreg:$0x4];
	[sflag:s3] =	ssyncadd.s32 $0xFFFFF380  }
0x2d: {  	[tilespmem:s6], [sflag:$0x1] =	stream.indirect.gather [hbm4b:s5+s4], $0x1, s2, s4, $0xb8;
	[tilespmem:$0x1C80] =	vst v63  }
0x2e: {  	s17 =	rddreg [dreg:$0x6]  }
0x2f: {  	[tilespmem:s16], [sflag:$0x1] =	stream.indirect.gather [hbm4b:s5+s4], $0x1, s4, s4, $0xb8;
	[tilespmem:$0x1C80] =	vst v63  }
0x30: {  	s18 =	rddreg [dreg:$0x8]  }
0x31: {  	[tilespmem:s17], [sflag:$0x1] =	stream.indirect.gather [hbm4b:s5+s4], $0x1, s15, s4, $0xb8;
	[tilespmem:$0x1C80] =	vst v63  }
0x32: {  	s26 =	rddreg [dreg:$0x7]  }
0x33: {  	[tilespmem:s18], [sflag:$0x1] =	stream.indirect.gather [hbm4b:s5+s4], $0x1, s26, s4, $0xb8;
	[tilespmem:$0x1C80] =	vst v63  }
0x34: {  	s17 =	rddreg [dreg:$0x9]  }
0x35: {  	[tilespmem:s14], [sflag:$0x1] =	stream.indirect.gather [hbm4b:s5+s4], $0x1, s17, s4, $0xb8;
	[tilespmem:$0x1C80] =	vst v63  }
0x36: {  	s19 =	rddreg [dreg:$0xb]  }
0x37: {  	[tilespmem:s13], [sflag:$0x1] =	stream.indirect.gather [hbm4b:s5+s4], $0x1, s19, s4, $0xb8;
	[tilespmem:$0x1C80] =	vst v63  }
0x38: {  	s20 =	rddreg [dreg:$0xd]  }
0x39: {  	[tilespmem:s12], [sflag:$0x1] =	stream.indirect.gather [hbm4b:s5+s4], $0x1, s20, s4, $0xb8;
	[tilespmem:$0x1C80] =	vst v63  }
0x3a: {  	s21 =	rddreg [dreg:$0xf]  }
0x3b: {  	[tilespmem:s7], [sflag:$0x1] =	stream.indirect.gather [hbm4b:s5+s4], $0x1, s21, s4, $0xb8;
	[tilespmem:$0x1C80] =	vst v63  }
0x3c: {  	s22 =	rddreg [dreg:$0x1b];
	s7 =	simm.s32 $0x400  }
0x3d: {  	[tilespmem:s11], [sflag:$0x1] =	stream.indirect.gather [hbm4b:s5+s4], $0x1, s7, s4, $0xb8;
	[tilespmem:$0x1C80] =	vst v63  }
0x3e: {  	s23 =	rddreg [dreg:$0x12]  }
0x3f: {  	[tilespmem:s10], [sflag:$0x1] =	stream.indirect.gather [hbm4b:s5+s4], $0x1, s23, s4, $0xb8;
	[tilespmem:$0x1C80] =	vst v63  }
0x40: {  	s24 =	rddreg [dreg:$0x14]  }
0x41: {  	[tilespmem:s9], [sflag:$0x1] =	stream.indirect.gather [hbm4b:s5+s4], $0x1, s24, s4, $0xb8;
	[tilespmem:$0x1C80] =	vst v63  }
0x42: {  	s25 =	rddreg [dreg:$0x16]  }
0x43: {  	[tilespmem:s8], [sflag:$0x1] =	stream.indirect.gather [hbm4b:s5+s4], $0x1, s25, s4, $0xb8;
	[tilespmem:$0x1C80] =	vst v63  }
0x44: {  	s26 =	rddreg [dreg:$0x18]  }
0x45: {  	[tilespmem:s0], [sflag:$0x1] =	stream.indirect.gather [hbm4b:s5+s4], $0x1, s26, s4, $0xb8;
	[tilespmem:$0x1C80] =	vst v63  }
0x46: {  	s11 =	rddreg [dreg:$0x1a]  }
0x47: {  	[tilespmem:s22], [sflag:$0x1] =	stream.indirect.gather [hbm4b:s5+s4], $0x1, s11, s4, $0xb8;
	[tilespmem:$0x1C80] =	vst v63  }
0x48: {  	s28 =	simm.s32 $0xB80;
	s14 =	simm.s32 $0x1700;
	s13 =	simm.s32 $0x700  }
0x49: {  	[tilespmem:s14], [sflag:$0x1] =	stream.indirect.gather [hbm4b:s5+s4], $0x1, s13, s4, $0xb8;
	[tilespmem:$0x1C80] =	vst v63  }
0x4a: {  	s30 =	simm.s32 $0x1B80;
	s16 =	simm.s32 $0x1780;
	s15 =	simm.s32 $0x780  }
0x4b: {  	[tilespmem:s16], [sflag:$0x1] =	stream.indirect.gather [hbm4b:s5+s4], $0x1, s15, s4, $0xb8;
	[tilespmem:$0x1C80] =	vst v63  }
0x4c: {  	s18 =	simm.s32 $0x1800;
	s17 =	simm.s32 $0x800;
	s21 =	ssub.s32 $0x2, s1  }
0x4d: {  	[tilespmem:s18], [sflag:$0x1] =	stream.indirect.gather [hbm4b:s5+s4], $0x1, s17, s4, $0xb8;
	[tilespmem:$0x1C80] =	vst v63  }
0x4e: {  	s19 =	simm.s32 $0x880;
	s20 =	simm.s32 $0x1880;
	s24 =	sshrl.u32 s21, $0x1  }
0x4f: {  	[tilespmem:s20], [sflag:$0x1] =	stream.indirect.gather [hbm4b:s5+s4], $0x1, s19, s4, $0xb8;
	[tilespmem:$0x1C80] =	vst v63  }
0x50: {  	s23 =	simm.s32 $0x1900;
	s0 =	ssub.s32 s21, s24;
	s22 =	simm.s32 $0x900  }
0x51: {  	[tilespmem:s23], [sflag:$0x1] =	stream.indirect.gather [hbm4b:s5+s4], $0x1, s22, s4, $0xb8;
	[tilespmem:$0x1C80] =	vst v63  }
0x52: {  	s25 =	simm.s32 $0x980;
	s26 =	simm.s32 $0x1980;
	s0 =	smax.u32 s0, $0x1  }
0x53: {  	[tilespmem:s26], [sflag:$0x1] =	stream.indirect.gather [hbm4b:s5+s4], $0x1, s25, s4, $0xb8;
	[tilespmem:$0x1C80] =	vst v63  }
0x54: {  	s21 =	simm.s32 $0x1A00;
	p0 =	sne.s32 s0, $0x1;
	s20 =	simm.s32 $0xA00  }
0x55: {  	[tilespmem:s21], [sflag:$0x1] =	stream.indirect.gather [hbm4b:s5+s4], $0x1, s20, s4, $0xb8;
	[tilespmem:$0x1C80] =	vst v63  }
.Ltmp0:
0x56: {  	s31 =	simm.s32 $0xC00;
	s1 =	simm.s32 $0x1C00;
	(pc) =	sbr.rel @!p0 .LBB2_2-.Ltmp0, $4  }
0x57: {  	s24 =	simm.s32 $0xB00;
	s22 =	simm.s32 $0xA80;
	s23 =	simm.s32 $0x1A80  }
0x58: {  	[tilespmem:s23], [sflag:$0x1] =	stream.indirect.gather [hbm4b:s5+s4], $0x1, s22, s4, $0xb8;
	[tilespmem:$0x1C80] =	vst v63  }
0x59: {  	s29 =	sadd.s32 $0xFFFFFFFF, s0;
	s25 =	simm.s32 $0x1B00;
	s26 =	simm.s32 $0x1  }
0x5a: {  	[tilespmem:s25], [sflag:$0x1] =	stream.indirect.gather [hbm4b:s5+s4], $0x1, s24, s4, $0xb8;
	[tilespmem:$0x1C80] =	vst v63  }
.LBB2_1:
0x5b: {  	[tilespmem:s30], [sflag:$0x1] =	stream.indirect.gather [hbm4b:s5+s4], $0x1, s28, s4, $0xb8;
	[tilespmem:$0x1C80] =	vst v63  }
0x5c: {  	_ = 	snop  }
0x5d: {  	[tilespmem:s1], [sflag:$0x1] =	stream.indirect.gather [hbm4b:s5+s4], $0x1, s31, s4, $0xb8;
	[tilespmem:$0x1C80] =	vst v63  }
0x5e: {  	_ =	swait.ge [sflag:s26], $0xC80  }
0x5f: {  	[sflag:s26] =	ssyncset.done $0x0  }
0x60: {  	s0 =	rddreg [dreg:$0x3];
	[sflag:s26] =	ssyncadd.s32 $0xFFFFF380  }
0x61: {  	[hbm4b:s0+s4] =	stream.strided.scatter [tilespmem:s6], [sflag:$0x2], $0xC80, s7, s4, $0x38;
	[tilespmem:$0x1C80] =	vst v63  }
0x62: {  	_ =	swait.ge [sflag:s3], $0xC80  }
0x63: {  	[sflag:s3] =	ssyncset.done $0x0  }
0x64: {  	s17 =	rddreg [dreg:$0x2];
	[sflag:s3] =	ssyncadd.s32 $0xFFFFF380  }
0x65: {  	[tilespmem:s2], [sflag:$0x2] =	stream.linear.gather [hbm4b:s17+s2], $0xC80, $0x38;
	[tilespmem:$0x1C80] =	vst v63  }
0x66: {  	_ =	swait.ge [sflag:s3], $0xC80  }
0x67: {  	s0 =	rddreg [dreg:$0x19]  }
0x68: {  	s8 =	rddreg [dreg:$0x17]  }
0x69: {  	s9 =	rddreg [dreg:$0x15]  }
0x6a: {  	s10 =	rddreg [dreg:$0x13]  }
0x6b: {  	s11 =	rddreg [dreg:$0x11]  }
0x6c: {  	s12 =	rddreg [dreg:$0x10]  }
0x6d: {  	s13 =	rddreg [dreg:$0xe]  }
0x6e: {  	s14 =	rddreg [dreg:$0xc]  }
0x6f: {  	s15 =	rddreg [dreg:$0xa]  }
0x70: {  	s16 =	rddreg [dreg:$0x5];
	[sflag:s3] =	ssyncset.done $0x0  }
0x71: {  	s17 =	rddreg [dreg:$0x4];
	[sflag:s3] =	ssyncadd.s32 $0xFFFFF380  }
0x72: {  	[tilespmem:s6], [sflag:$0x1] =	stream.indirect.gather [hbm4b:s5+s4], $0x1, s2, s4, $0xb8;
	[tilespmem:$0x1C80] =	vst v63  }
0x73: {  	s18 =	rddreg [dreg:$0x6]  }
0x74: {  	[tilespmem:s17], [sflag:$0x1] =	stream.indirect.gather [hbm4b:s5+s4], $0x1, s4, s4, $0xb8;
	[tilespmem:$0x1C80] =	vst v63  }
0x75: {  	s19 =	rddreg [dreg:$0x8]  }
0x76: {  	[tilespmem:s18], [sflag:$0x1] =	stream.indirect.gather [hbm4b:s5+s4], $0x1, s16, s4, $0xb8;
	[tilespmem:$0x1C80] =	vst v63  }
0x77: {  	s17 =	rddreg [dreg:$0x7]  }
0x78: {  	[tilespmem:s19], [sflag:$0x1] =	stream.indirect.gather [hbm4b:s5+s4], $0x1, s17, s4, $0xb8;
	[tilespmem:$0x1C80] =	vst v63  }
0x79: {  	s18 =	rddreg [dreg:$0x9]  }
0x7a: {  	[tilespmem:s15], [sflag:$0x1] =	stream.indirect.gather [hbm4b:s5+s4], $0x1, s18, s4, $0xb8;
	[tilespmem:$0x1C80] =	vst v63  }
0x7b: {  	s19 =	rddreg [dreg:$0xb]  }
0x7c: {  	[tilespmem:s14], [sflag:$0x1] =	stream.indirect.gather [hbm4b:s5+s4], $0x1, s19, s4, $0xb8;
	[tilespmem:$0x1C80] =	vst v63  }
0x7d: {  	s18 =	rddreg [dreg:$0xd]  }
0x7e: {  	[tilespmem:s13], [sflag:$0x1] =	stream.indirect.gather [hbm4b:s5+s4], $0x1, s18, s4, $0xb8;
	[tilespmem:$0x1C80] =	vst v63  }
0x7f: {  	s19 =	rddreg [dreg:$0xf]  }
0x80: {  	[tilespmem:s12], [sflag:$0x1] =	stream.indirect.gather [hbm4b:s5+s4], $0x1, s19, s4, $0xb8;
	[tilespmem:$0x1C80] =	vst v63  }
0x81: {  	s16 =	rddreg [dreg:$0x14]  }
0x82: {  	[tilespmem:s11], [sflag:$0x1] =	stream.indirect.gather [hbm4b:s5+s4], $0x1, s7, s4, $0xb8;
	[tilespmem:$0x1C80] =	vst v63  }
0x83: {  	s15 =	rddreg [dreg:$0x12]  }
0x84: {  	[tilespmem:s10], [sflag:$0x1] =	stream.indirect.gather [hbm4b:s5+s4], $0x1, s15, s4, $0xb8;
	[tilespmem:$0x1C80] =	vst v63  }
0x85: {  	s17 =	rddreg [dreg:$0x16]  }
0x86: {  	[tilespmem:s9], [sflag:$0x1] =	stream.indirect.gather [hbm4b:s5+s4], $0x1, s16, s4, $0xb8;
	[tilespmem:$0x1C80] =	vst v63  }
0x87: {  	s13 =	rddreg [dreg:$0x1b]  }
0x88: {  	[tilespmem:s8], [sflag:$0x1] =	stream.indirect.gather [hbm4b:s5+s4], $0x1, s17, s4, $0xb8;
	[tilespmem:$0x1C80] =	vst v63  }
0x89: {  	s18 =	rddreg [dreg:$0x18]  }
0x8a: {  	[tilespmem:s0], [sflag:$0x1] =	stream.indirect.gather [hbm4b:s5+s4], $0x1, s18, s4, $0xb8;
	[tilespmem:$0x1C80] =	vst v63  }
0x8b: {  	s19 =	rddreg [dreg:$0x1a]  }
0x8c: {  	[tilespmem:s13], [sflag:$0x1] =	stream.indirect.gather [hbm4b:s5+s4], $0x1, s19, s4, $0xb8;
	[tilespmem:$0x1C80] =	vst v63  }
0x8d: {  	s9 =	simm.s32 $0x1700;
	s8 =	simm.s32 $0x700  }
0x8e: {  	[tilespmem:s9], [sflag:$0x1] =	stream.indirect.gather [hbm4b:s5+s4], $0x1, s8, s4, $0xb8;
	[tilespmem:$0x1C80] =	vst v63  }
0x8f: {  	s11 =	simm.s32 $0x1780;
	s10 =	simm.s32 $0x780  }
0x90: {  	[tilespmem:s11], [sflag:$0x1] =	stream.indirect.gather [hbm4b:s5+s4], $0x1, s10, s4, $0xb8;
	[tilespmem:$0x1C80] =	vst v63  }
0x91: {  	s12 =	simm.s32 $0x800;
	s13 =	simm.s32 $0x1800  }
0x92: {  	[tilespmem:s13], [sflag:$0x1] =	stream.indirect.gather [hbm4b:s5+s4], $0x1, s12, s4, $0xb8;
	[tilespmem:$0x1C80] =	vst v63  }
0x93: {  	s14 =	simm.s32 $0x880;
	s15 =	simm.s32 $0x1880  }
0x94: {  	[tilespmem:s15], [sflag:$0x1] =	stream.indirect.gather [hbm4b:s5+s4], $0x1, s14, s4, $0xb8;
	[tilespmem:$0x1C80] =	vst v63  }
0x95: {  	s16 =	simm.s32 $0x900;
	s17 =	simm.s32 $0x1900  }
0x96: {  	[tilespmem:s17], [sflag:$0x1] =	stream.indirect.gather [hbm4b:s5+s4], $0x1, s16, s4, $0xb8;
	[tilespmem:$0x1C80] =	vst v63  }
0x97: {  	s18 =	simm.s32 $0x980;
	s19 =	simm.s32 $0x1980  }
0x98: {  	[tilespmem:s19], [sflag:$0x1] =	stream.indirect.gather [hbm4b:s5+s4], $0x1, s18, s4, $0xb8;
	[tilespmem:$0x1C80] =	vst v63  }
0x99: {  	p0 =	sne.s32 s29, $0x1  }
0x9a: {  	[tilespmem:s21], [sflag:$0x1] =	stream.indirect.gather [hbm4b:s5+s4], $0x1, s20, s4, $0xb8;
	[tilespmem:$0x1C80] =	vst v63  }
.Ltmp1:
0x9b: {  	_ = 	snop;
	(pc) =	sbr.rel @p0 .LBB2_1-.Ltmp1, $4  }
0x9c: {  	_ = 	snop  }
0x9d: {  	[tilespmem:s23], [sflag:$0x1] =	stream.indirect.gather [hbm4b:s5+s4], $0x1, s22, s4, $0xb8;
	[tilespmem:$0x1C80] =	vst v63  }
0x9e: {  	s29 =	sadd.s32 $0xFFFFFFFF, s29  }
0x9f: {  	[tilespmem:s25], [sflag:$0x1] =	stream.indirect.gather [hbm4b:s5+s4], $0x1, s24, s4, $0xb8;
	[tilespmem:$0x1C80] =	vst v63  }
.LBB2_2:
0xa0: {  	[tilespmem:s30], [sflag:$0x1] =	stream.indirect.gather [hbm4b:s5+s4], $0x1, s28, s4, $0xb8;
	[tilespmem:$0x1C80] =	vst v63  }
0xa1: {  	_ = 	snop  }
0xa2: {  	[tilespmem:s1], [sflag:$0x1] =	stream.indirect.gather [hbm4b:s5+s4], $0x1, s31, s4, $0xb8;
	[tilespmem:$0x1C80] =	vst v63  }
0xa3: {  	_ =	swait.ge [sflag:s26], $0xC80  }
0xa4: {  	[sflag:s26] =	ssyncset.done $0x0  }
0xa5: {  	s0 =	rddreg [dreg:$0x3];
	[sflag:s26] =	ssyncadd.s32 $0xFFFFF380  }
0xa6: {  	[hbm4b:s0+s4] =	stream.strided.scatter [tilespmem:s6], [sflag:$0x2], $0xC80, s7, s4, $0x38;
	[tilespmem:$0x1C80] =	vst v63  }
0xa7: {  	_ =	swait.ge [sflag:s3], $0xC80  }
0xa8: {  	[sflag:s3] =	ssyncset.done $0x0  }
0xa9: {  	[sflag:s3] =	ssyncadd.s32 $0xFFFFF380  }
0xaa: {  	_ =	sfence.sel $0x180000  }
0xab: {  	[bflag:$0x0] =	sbarrier.arrive $0xFFFF  }
0xac: {  	_ =	strace $0x9000004A  }
0xad: {  	s31 =	stileid.u32;
	[bflag:$0x2] =	sbarrier.arrive $0xFFFF  }
0xae: {  	p0 =	sne.s32 s31, $0x0;
	s0 =	rddreg [dreg:$0x1]  }
0xaf: {  	s0 =	sadd.s32 @!p0 $0x100000, s0  }
0xb0: {  	[sflag:s0] =	ssyncadd.tile.s32 @!p0 $0x1;
	_ =	shalt  }
.Lfunc_end2:
_tile_overlayer_lowered:
.L_overlay_start_2:
0xb1: {  	(tag) =	ssettag $0x2  }
0xb2: {  	s0 =	rddreg [dreg:$0x0];
	s2 =	stileid.u32  }
0xb3: {  	s1 =	rddreg [dreg:$0x1];
	p0 =	sne.s32 s2, $0x0  }
0xb4: {  	s3 =	rddreg [dreg:$0x2];
	[bflag:$0x3] =	sbarrier.arrive $0xFFFF;
	s2 =	simm.s32 @!p0 $0x1C02  }
0xb5: {  	[timem:s3], [sflag:s2] =	dma.local @!p0 [hbm:s0], s1  }
0xb6: {  	s0 =	simm.s32 @!p0 $0x2  }
0xb7: {  	_ =	swait.ge @!p0 [sflag:s0], s1  }
0xb8: {  	s1 =	ssub.s32 @!p0 $0x0, s1;
	[sflag:s0] =	ssyncset.done @!p0 $0x0  }
0xb9: {  	[sflag:s0] =	ssyncadd.s32 @!p0 s1  }
0xba: {  	[bflag:$0x3] =	sbarrier.arrive $0xFFFF  }
0xbb: {  	_ =	shalt  }

// kernel: kernel.7.cloned.1.call-start
scs
__scs_entry_jumppad:
0x0: {  	(pc) =	sbr.rel $0x88, $3  }
0x1: {  	(tag) =	ssettag $0x0;
	lr =	simm.s32 $0x1  }
0x2: {  	[smem:$0x3F9E] =	sst lr;
	_ =	strace $0xD0000000  }
0x3: {  	_ = 	snop  }
0x4: {  	_ = 	snop  }
0x5: {  	_ = 	snop  }
0x6: {  	_ = 	snop  }
0x7: {  	_ = 	snop  }
__scs_overlays_trampoline_lowered:
0x8: {  	[smem:$0x3FAD] =	sst s0  }
0x9: {  	[smem:$0x3FAE] =	sst s1  }
0xa: {  	[smem:$0x3FAF] =	sst s2  }
0xb: {  	[smem:$0x3FB0] =	sst s3  }
0xc: {  	[smem:$0x3FB1] =	sst s4  }
0xd: {  	[smem:$0x3FB2] =	sst s5  }
0xe: {  	[smem:$0x3FB3] =	sst s6  }
0xf: {  	[smem:$0x3FB4] =	sst s7  }
0x10: {  	[smem:$0x3FB5] =	sst s8  }
0x11: {  	[smem:$0x3FB6] =	sst s9;
	s0 =	simm.s32 @!p0 $0x0  }
0x12: {  	s1 =	sld [smem:$0x3F9C];
	s0 =	simm.s32 @p0 $0x1  }
0x13: {  	[smem:$0x3FB7] =	sst s0;
	s0 =	simm.s32 @!p1 $0x0  }
0x14: {  	s2 =	sld [smem:$0x3F9B];
	s0 =	simm.s32 @p1 $0x1  }
0x15: {  	[smem:$0x3FB8] =	sst s0;
	s0 =	simm.s32 @!p2 $0x0  }
0x16: {  	s3 =	sld [smem:$0x3FDB];
	s0 =	simm.s32 @p2 $0x1  }
0x17: {  	s4 =	simm.s32 $0x1BF5;
	[smem:$0x3FBA] =	sst s0  }
0x18: {  	s0 =	sld [smem:$0x3F9D];
	_ =	swait.ge [sflag:s4], $0x0  }
0x19: {  	s7 =	sld [smem:$0x3F9E]  }
0x1a: {  	s8 =	sadd.s32 $0xFFFFE003, lr  }
0x1b: {  	s9 =	sadd.s32 $0xFFFFFEF7, lr;
	s5 =	simm.s32 $0xFFFFFFFF;
	p2 =	slt.u32 s8, $0xFFFFF086  }
0x1c: {  	p1 =	slt.u32 s9, $0xF7A;
	s5 =	simm.s32 @!p2 $0x0  }
0x1d: {  	s5 =	simm.s32 @p1 $0x1;
	p0 =	seq.s32 s7, s2  }
0x1e: {  	s7 =	smul.u32 @!p0 $0xF7A, s2;
	p2 =	seq.s32 @!p0 s5, $0x0  }
0x1f: {  	s9 =	smul.u32 $0xF7A, s1;
	s8 =	simm.s32 @!p0 $0x1BF5;
	p2 =	por !p2, p0  }
0x20: {  	[sflag:s8] =	ssyncset.s32 @!p0 $0xFFFFF086;
	s6 =	sadd.s32 @!p0 s3, s7;
	s7 =	simm.s32 @!p0 $0x108  }
0x21: {  	s3 =	sadd.s32 s3, s9;
	s6 =	sadd.s32 @!p0 $0x88, s6;
	s7 =	simm.s32 @p2 $0x1082  }
0x22: {  	[simem:s7], [sflag:s8] =	dma.local @!p0 [hbm:s6], $0xF7A  }
0x23: {  	s9 =	sor.u32 $0xD0000000, s2;
	s6 =	simm.s32 $0x108;
	_ =	swait.ge @!p0 [sflag:s8], $0x0  }
0x24: {  	s3 =	sadd.s32 $0x88, s3;
	s6 =	simm.s32 @!p1 $0x1082;
	[sflag:s4] =	ssyncset.s32 $0xFFFFF086  }
0x25: {  	[simem:s6], [sflag:s4] =	dma.local [hbm:s3], $0xF7A  }
0x26: {  	[smem:$0x3F9E] =	sst s1;
	(tag) =	ssettag s2;
	_ =	strace s9  }
0x27: {  	s1 =	sld [smem:$0x3FAE]  }
0x28: {  	s2 =	sld [smem:$0x3FAF]  }
0x29: {  	s4 =	sld [smem:$0x3FB1]  }
0x2a: {  	p0 =	seq.s32 s5, $0x0;
	s5 =	sld [smem:$0x3FB2]  }
0x2b: {  	s6 =	sld [smem:$0x3FB3]  }
0x2c: {  	s7 =	sld [smem:$0x3FB4]  }
0x2d: {  	s3 =	simm.s32 $0x108;
	s8 =	sld [smem:$0x3FB5]  }
0x2e: {  	s3 =	simm.s32 @!p0 $0x1082;
	s9 =	sld [smem:$0x3FB6]  }
0x2f: {  	lr =	sadd.s32 s0, s3;
	s0 =	sld [smem:$0x3FAD]  }
0x30: {  	s3 =	sld [smem:$0x3FB0]  }
0x31: {  	[smem:$0x3FB9] =	sst s10  }
0x32: {  	s10 =	sld [smem:$0x3FB7];
	_ =	sdelay $0x3  }
0x33: {  	p0 =	seq.s32 s10, $0x1;
	s10 =	sld [smem:$0x3FB9];
	_ =	sdelay $0x3  }
0x34: {  	[smem:$0x3FB9] =	sst s10  }
0x35: {  	s10 =	sld [smem:$0x3FB8];
	_ =	sdelay $0x3  }
0x36: {  	p1 =	seq.s32 s10, $0x1;
	s10 =	sld [smem:$0x3FB9];
	_ =	sdelay $0x3  }
0x37: {  	[smem:$0x3FB9] =	sst s10  }
0x38: {  	s10 =	sld [smem:$0x3FBA]  }
0x39: {  	_ = 	snop;
	(pc) =	sbr.ind lr, $3  }
0x3a: {  	_ = 	snop  }
0x3b: {  	_ = 	snop  }
0x3c: {  	p2 =	seq.s32 s10, $0x1;
	s10 =	sld [smem:$0x3FB9]  }
0x3d: {  	_ =	shalt  }
0x3e: {  	_ =	shalt  }
0x3f: {  	_ =	shalt  }
0x40: {  	_ =	shalt  }
0x41: {  	_ =	shalt  }
0x42: {  	_ =	shalt  }
0x43: {  	_ =	shalt  }
0x44: {  	_ =	shalt  }
0x45: {  	_ =	shalt  }
0x46: {  	_ =	shalt  }
0x47: {  	_ =	shalt  }
0x48: {  	_ =	shalt  }
0x49: {  	_ =	shalt  }
0x4a: {  	_ =	shalt  }
0x4b: {  	_ =	shalt  }
0x4c: {  	_ =	shalt  }
0x4d: {  	_ =	shalt  }
0x4e: {  	_ =	shalt  }
0x4f: {  	_ =	shalt  }
0x50: {  	_ =	shalt  }
0x51: {  	_ =	shalt  }
0x52: {  	_ =	shalt  }
0x53: {  	_ =	shalt  }
0x54: {  	_ =	shalt  }
0x55: {  	_ =	shalt  }
0x56: {  	_ =	shalt  }
0x57: {  	_ =	shalt  }
0x58: {  	_ =	shalt  }
0x59: {  	_ =	shalt  }
0x5a: {  	_ =	shalt  }
0x5b: {  	_ =	shalt  }
0x5c: {  	_ =	shalt  }
0x5d: {  	_ =	shalt  }
0x5e: {  	_ =	shalt  }
0x5f: {  	_ =	shalt  }
0x60: {  	_ =	shalt  }
0x61: {  	_ =	shalt  }
0x62: {  	_ =	shalt  }
0x63: {  	_ =	shalt  }
0x64: {  	_ =	shalt  }
0x65: {  	_ =	shalt  }
0x66: {  	_ =	shalt  }
0x67: {  	_ =	shalt  }
0x68: {  	_ =	shalt  }
0x69: {  	_ =	shalt  }
0x6a: {  	_ =	shalt  }
0x6b: {  	_ =	shalt  }
0x6c: {  	_ =	shalt  }
0x6d: {  	_ =	shalt  }
0x6e: {  	_ =	shalt  }
0x6f: {  	_ =	shalt  }
0x70: {  	_ =	shalt  }
0x71: {  	_ =	shalt  }
0x72: {  	_ =	shalt  }
0x73: {  	_ =	shalt  }
0x74: {  	_ =	shalt  }
0x75: {  	_ =	shalt  }
0x76: {  	_ =	shalt  }
0x77: {  	_ =	shalt  }
0x78: {  	_ =	shalt  }
0x79: {  	_ =	shalt  }
0x7a: {  	_ =	shalt  }
0x7b: {  	_ =	shalt  }
0x7c: {  	_ =	shalt  }
0x7d: {  	_ =	shalt  }
0x7e: {  	_ =	shalt  }
0x7f: {  	_ =	shalt  }
0x80: {  	_ =	shalt  }
0x81: {  	_ =	shalt  }
0x82: {  	_ =	shalt  }
0x83: {  	_ =	shalt  }
0x84: {  	_ =	shalt  }
0x85: {  	_ =	shalt  }
0x86: {  	_ =	shalt  }
0x87: {  	_ =	shalt  }
.Lfunc_end0:
.L_simem_size_0:
called_computation_lowered:
.L_overlay_start_0:
0x88: {  	s2 =	sld [smem:$0x3FD9]  }
0x89: {  	s3 =	sld [smem:$0x3FFE];
	_ =	sdelay $0x1  }
0x8a: {  	s1 =	srdreg.scid  }
0x8b: {  	s0 =	sand.u32 $0x1, s1  }
0x8c: {  	s16 =	sshll.u32 s0, $0xA;
	s2 =	sadd.s32 s3, s2  }
0x8d: {  	s2 =	sadd.s32 s2, s16  }
0x8e: {  	[smem:$0x3FC5] =	sst s2  }
0x8f: {  	_ = 	snop  }
0x90: {  	(tm) =	ssettm $0x1  }
0x91: {  	s17 =	sld [smem:$0x3FFB];
	_ =	sdelay $0x3  }
0x92: {  	_ =	strace s17  }
0x93: {  	s2 =	sld [smem:$0x3FFC];
	_ =	sdelay $0x3  }
0x94: {  	_ =	strace s2  }
0x95: {  	s2 =	sld [smem:$0x3FFD];
	_ =	sdelay $0x3  }
0x96: {  	_ =	strace s2  }
0x97: {  	_ =	strace $0x8FFFFFFF  }
0x98: {  	s18 =	sld [smem:$0x3FDB];
	_ =	sdelay $0x1  }
0x99: {  	s19 =	simm.s32 $_scs_section_size  }
0x9a: {  	s4 =	simm.s32 $_size__tile_overlayer_lowered;
	s5 =	simm.s32 $_tile_overlayer_lowered  }
0x9b: {  	s22 =	simm.s32 $0x1BFF;
	s21 =	sshll.u32 s5, $0x1;
	s2 =	sadd.s32 s19, s18  }
0x9c: {  	s6 =	simm.s32 $0x0;
	s20 =	sshll.u32 s4, $0x1;
	s4 =	sadd.s32 s21, s2  }
0x9d: {  	[timem:s6], [sflag:s22] =	dma.local [hbm:s4], s20  }
0x9e: {  	_ =	swait.ge [sflag:s22], s20  }
0x9f: {  	s3 =	ssub.s32 $0x0, s20;
	[sflag:s22] =	ssyncset.done $0x0  }
0xa0: {  	[sflag:s22] =	ssyncadd.s32 s3;
	_ =	sdelay $0x1  }
0xa1: {  	s23 =	simm.s32 $0x1B8B  }
0xa2: {  	_ =	swait.ge [sflag:s23], $0x1  }
0xa3: {  	[sflag:s23] =	ssyncset.done $0x0  }
0xa4: {  	s25 =	simm.s32 $0x1B8E;
	s24 =	sld [smem:$0x3FFE];
	[sflag:s23] =	ssyncadd.s32 $0xFFFFFFFF  }
0xa5: {  	s26 =	simm.s32 $execute0_lowered;
	[smem:$0x3FD2] =	sst s25  }
0xa6: {  	s4 =	sshll.u32 s26, $0x1;
	_ =	strace $0x80000046;
	[dreg:$0x1] =	wrdreg $0xFFFFFFFF  }
0xa7: {  	s28 =	simm.s32 $_size_execute0_lowered;
	s2 =	sadd.s32 s2, s4;
	[dreg:$0x0] =	wrdreg $0x0  }
0xa8: {  	s4 =	sshll.u32 s28, $0x1;
	[dreg:$0x2] =	wrdreg s2  }
0xa9: {  	[dreg:$0x3] =	wrdreg s4  }
0xaa: {  	[dreg:$0x4] =	wrdreg $0xC0  }
0xab: {  	_ =	task [dreg:s6], $0x5FFFF  }
0xac: {  	[dreg:$0x1] =	wrdreg $0xFFFFFFFF  }
0xad: {  	[dreg:$0x0] =	wrdreg $0x60  }
0xae: {  	[dreg:$0x2] =	wrdreg s24  }
0xaf: {  	[dreg:$0x3] =	wrdreg $0x9  }
0xb0: {  	_ =	task.clear_ibuf [dreg:s6], $0x4FFFF;
	_ =	strace $0x90000046  }
0xb1: {  	s29 =	simm.s32 $0x9;
	_ =	strace $0x80000048  }
0xb2: {  	_ =	swait.ge [sflag:s29], $0x1  }
0xb3: {  	[sflag:s29] =	ssyncadd.s32 $0xFFFFFFFF  }
0xb4: {  	_ =	strace $0x90000048  }
0xb5: {  	_ =	sfence  }
0xb6: {  	s30 =	sld [smem:$0x0];
	_ =	sdelay $0x2  }
0xb7: {  	s31 =	sshll.u32 s1, $0xD;
	s1 =	sshrl.u32 s1, $0x2  }
0xb8: {  	s3 =	sand.u32 $0x4000, s31;
	s1 =	sadd.s32 s1, s30  }
0xb9: {  	s0 =	sor.u32 s3, s0;
	s1 =	sshll.u32 s1, $0x11  }
0xba: {  	s0 =	sor.u32 s1, s0  }
0xbb: {  	s0 =	sadd.s32 $0x8F2B, s0  }
0xbc: {  	[sflag:s0] =	ssyncadd.remote.s32 $0x1  }
0xbd: {  	_ =	sfence.sel $0xFFFF  }
0xbe: {  	[dreg:$0x0] =	wrdreg $0xFFFFFFFF;
	(pc) =	sbr.abs _section_cstart, $3  }
0xbf: {  	[dreg:$0x1] =	wrdreg $0xFFFFFFFF  }
0xc0: {  	_ =	task.clear_ibuf [dreg:s6], $0x2FFFF;
	_ =	strace $0x9FFFFFFF  }
0xc1: {  	(tm) =	ssettm $0x7FFFFFFF  }
tec
execute0_lowered:
.L_overlay_start_1:
0x0: {  	(tag) =	ssettag $0x1  }
0x1: {  	s2 =	stileid.u32  }
0x2: {  	s21 =	sshll.u32 s2, $0x1;
	s2 =	sshrl.u32 s2, $0x2  }
0x3: {  	s4 =	rddreg [dreg:$0x0];
	s3 =	smul.u32 $0x6400, s2;
	s2 =	simm.s32 $0x0  }
0x4: {  	s24 =	simm.s32 $0x1080;
	[smem:$0x7FF] =	sst s2  }
0x5: {  	s25 =	simm.s32 $0x100;
	_ =	strace $0x80000047;
	[dreg:$0x4] =	wrdreg s24  }
0x6: {  	s26 =	simm.s32 $0x1100;
	[dreg:$0x5] =	wrdreg s25  }
0x7: {  	s6 =	simm.s32 $0x200;
	[dreg:$0x6] =	wrdreg s26  }
0x8: {  	s7 =	simm.s32 $0x1200;
	[dreg:$0x9] =	wrdreg s6  }
0x9: {  	s8 =	simm.s32 $0x280;
	[dreg:$0xa] =	wrdreg s7  }
0xa: {  	s9 =	simm.s32 $0x1280;
	[dreg:$0xb] =	wrdreg s8  }
0xb: {  	s10 =	simm.s32 $0x300;
	[dreg:$0xc] =	wrdreg s9  }
0xc: {  	s11 =	simm.s32 $0x1300;
	[dreg:$0xd] =	wrdreg s10  }
0xd: {  	s12 =	simm.s32 $0x380;
	[dreg:$0xe] =	wrdreg s11  }
0xe: {  	s13 =	simm.s32 $0x1380;
	[dreg:$0xf] =	wrdreg s12  }
0xf: {  	s14 =	simm.s32 $0x1400;
	[dreg:$0x10] =	wrdreg s13  }
0x10: {  	s15 =	simm.s32 $0x480;
	[dreg:$0x11] =	wrdreg s14  }
0x11: {  	s16 =	simm.s32 $0x1480;
	[dreg:$0x12] =	wrdreg s15  }
0x12: {  	s0 =	srdreg.scid;
	s17 =	simm.s32 $0x500;
	[dreg:$0x13] =	wrdreg s16  }
0x13: {  	s18 =	simm.s32 $0x1500;
	s19 =	simm.s32 $0x580;
	[dreg:$0x14] =	wrdreg s17  }
0x14: {  	s20 =	simm.s32 $0x1580;
	s1 =	sand.u32 $0x1, s0;
	[dreg:$0x15] =	wrdreg s18  }
0x15: {  	s0 =	sor.u32 s1, s21;
	s21 =	simm.s32 $0x600;
	[dreg:$0x16] =	wrdreg s19  }
0x16: {  	s22 =	sshll.u32 s0, $0x7;
	s0 =	sshll.u32 s0, $0x9;
	[dreg:$0x17] =	wrdreg s20  }
0x17: {  	s5 =	sand.u32 $0x380, s22;
	[dreg:$0x18] =	wrdreg s21;
	s22 =	simm.s32 $0x1600  }
0x18: {  	s0 =	sadd.s32 s0, s4;
	s25 =	simm.s32 $0x1680;
	[dreg:$0x19] =	wrdreg s22  }
0x19: {  	s3 =	sor.u32 s3, s5;
	s0 =	sadd.s32 $0x1258C00, s0;
	[dreg:$0x1b] =	wrdreg s25  }
0x1a: {  	s5 =	simm.s32 $0x1180;
	s3 =	sshrl.u32 s3, $0x3;
	[dreg:$0x2] =	wrdreg s0  }
0x1b: {  	[dreg:$0x8] =	wrdreg s5;
	s3 =	sadd.s32 s3, s4  }
0x1c: {  	s24 =	rddreg [dreg:$0x2];
	s23 =	sadd.s32 $0x125CC00, s3  }
0x1d: {  	[tilespmem:s2], [sflag:$0x2] =	stream.linear.gather [hbm4b:s24+s2], $0xC80, $0x38;
	[tilespmem:$0x1C80] =	vst v63  }
0x1e: {  	s3 =	simm.s32 $0x180;
	[dreg:$0x3] =	wrdreg s23  }
0x1f: {  	[dreg:$0x7] =	wrdreg s3;
	s23 =	simm.s32 $0x680  }
0x20: {  	s3 =	simm.s32 $0x2;
	[dreg:$0x1a] =	wrdreg s23  }
0x21: {  	_ =	swait.ge [sflag:s3], $0xC80  }
0x22: {  	s0 =	rddreg [dreg:$0x19]  }
0x23: {  	s8 =	rddreg [dreg:$0x17]  }
0x24: {  	s9 =	rddreg [dreg:$0x15]  }
0x25: {  	s10 =	rddreg [dreg:$0x13]  }
0x26: {  	s11 =	rddreg [dreg:$0x11]  }
0x27: {  	s7 =	rddreg [dreg:$0x10]  }
0x28: {  	s12 =	rddreg [dreg:$0xe]  }
0x29: {  	s13 =	rddreg [dreg:$0xc]  }
0x2a: {  	s6 =	simm.s32 $0x1000;
	s14 =	rddreg [dreg:$0xa]  }
0x2b: {  	s5 =	sadd.s32 $0xC39A00, s4;
	s15 =	rddreg [dreg:$0x5];
	[sflag:s3] =	ssyncset.done $0x0  }
0x2c: {  	s4 =	simm.s32 $0x80;
	s16 =	rddreg [dreg:$0x4];
	[sflag:s3] =	ssyncadd.s32 $0xFFFFF380  }
0x2d: {  	[tilespmem:s6], [sflag:$0x1] =	stream.indirect.gather [hbm4b:s5+s4], $0x1, s2, s4, $0xb8;
	[tilespmem:$0x1C80] =	vst v63  }
0x2e: {  	s17 =	rddreg [dreg:$0x6]  }
0x2f: {  	[tilespmem:s16], [sflag:$0x1] =	stream.indirect.gather [hbm4b:s5+s4], $0x1, s4, s4, $0xb8;
	[tilespmem:$0x1C80] =	vst v63  }
0x30: {  	s18 =	rddreg [dreg:$0x8]  }
0x31: {  	[tilespmem:s17], [sflag:$0x1] =	stream.indirect.gather [hbm4b:s5+s4], $0x1, s15, s4, $0xb8;
	[tilespmem:$0x1C80] =	vst v63  }
0x32: {  	s26 =	rddreg [dreg:$0x7]  }
0x33: {  	[tilespmem:s18], [sflag:$0x1] =	stream.indirect.gather [hbm4b:s5+s4], $0x1, s26, s4, $0xb8;
	[tilespmem:$0x1C80] =	vst v63  }
0x34: {  	s17 =	rddreg [dreg:$0x9]  }
0x35: {  	[tilespmem:s14], [sflag:$0x1] =	stream.indirect.gather [hbm4b:s5+s4], $0x1, s17, s4, $0xb8;
	[tilespmem:$0x1C80] =	vst v63  }
0x36: {  	s19 =	rddreg [dreg:$0xb]  }
0x37: {  	[tilespmem:s13], [sflag:$0x1] =	stream.indirect.gather [hbm4b:s5+s4], $0x1, s19, s4, $0xb8;
	[tilespmem:$0x1C80] =	vst v63  }
0x38: {  	s20 =	rddreg [dreg:$0xd]  }
0x39: {  	[tilespmem:s12], [sflag:$0x1] =	stream.indirect.gather [hbm4b:s5+s4], $0x1, s20, s4, $0xb8;
	[tilespmem:$0x1C80] =	vst v63  }
0x3a: {  	s21 =	rddreg [dreg:$0xf]  }
0x3b: {  	[tilespmem:s7], [sflag:$0x1] =	stream.indirect.gather [hbm4b:s5+s4], $0x1, s21, s4, $0xb8;
	[tilespmem:$0x1C80] =	vst v63  }
0x3c: {  	s22 =	rddreg [dreg:$0x1b];
	s7 =	simm.s32 $0x400  }
0x3d: {  	[tilespmem:s11], [sflag:$0x1] =	stream.indirect.gather [hbm4b:s5+s4], $0x1, s7, s4, $0xb8;
	[tilespmem:$0x1C80] =	vst v63  }
0x3e: {  	s23 =	rddreg [dreg:$0x12]  }
0x3f: {  	[tilespmem:s10], [sflag:$0x1] =	stream.indirect.gather [hbm4b:s5+s4], $0x1, s23, s4, $0xb8;
	[tilespmem:$0x1C80] =	vst v63  }
0x40: {  	s24 =	rddreg [dreg:$0x14]  }
0x41: {  	[tilespmem:s9], [sflag:$0x1] =	stream.indirect.gather [hbm4b:s5+s4], $0x1, s24, s4, $0xb8;
	[tilespmem:$0x1C80] =	vst v63  }
0x42: {  	s25 =	rddreg [dreg:$0x16]  }
0x43: {  	[tilespmem:s8], [sflag:$0x1] =	stream.indirect.gather [hbm4b:s5+s4], $0x1, s25, s4, $0xb8;
	[tilespmem:$0x1C80] =	vst v63  }
0x44: {  	s26 =	rddreg [dreg:$0x18]  }
0x45: {  	[tilespmem:s0], [sflag:$0x1] =	stream.indirect.gather [hbm4b:s5+s4], $0x1, s26, s4, $0xb8;
	[tilespmem:$0x1C80] =	vst v63  }
0x46: {  	s11 =	rddreg [dreg:$0x1a]  }
0x47: {  	[tilespmem:s22], [sflag:$0x1] =	stream.indirect.gather [hbm4b:s5+s4], $0x1, s11, s4, $0xb8;
	[tilespmem:$0x1C80] =	vst v63  }
0x48: {  	s28 =	simm.s32 $0xB80;
	s14 =	simm.s32 $0x1700;
	s13 =	simm.s32 $0x700  }
0x49: {  	[tilespmem:s14], [sflag:$0x1] =	stream.indirect.gather [hbm4b:s5+s4], $0x1, s13, s4, $0xb8;
	[tilespmem:$0x1C80] =	vst v63  }
0x4a: {  	s30 =	simm.s32 $0x1B80;
	s16 =	simm.s32 $0x1780;
	s15 =	simm.s32 $0x780  }
0x4b: {  	[tilespmem:s16], [sflag:$0x1] =	stream.indirect.gather [hbm4b:s5+s4], $0x1, s15, s4, $0xb8;
	[tilespmem:$0x1C80] =	vst v63  }
0x4c: {  	s18 =	simm.s32 $0x1800;
	s17 =	simm.s32 $0x800;
	s21 =	ssub.s32 $0x2, s1  }
0x4d: {  	[tilespmem:s18], [sflag:$0x1] =	stream.indirect.gather [hbm4b:s5+s4], $0x1, s17, s4, $0xb8;
	[tilespmem:$0x1C80] =	vst v63  }
0x4e: {  	s19 =	simm.s32 $0x880;
	s20 =	simm.s32 $0x1880;
	s24 =	sshrl.u32 s21, $0x1  }
0x4f: {  	[tilespmem:s20], [sflag:$0x1] =	stream.indirect.gather [hbm4b:s5+s4], $0x1, s19, s4, $0xb8;
	[tilespmem:$0x1C80] =	vst v63  }
0x50: {  	s23 =	simm.s32 $0x1900;
	s0 =	ssub.s32 s21, s24;
	s22 =	simm.s32 $0x900  }
0x51: {  	[tilespmem:s23], [sflag:$0x1] =	stream.indirect.gather [hbm4b:s5+s4], $0x1, s22, s4, $0xb8;
	[tilespmem:$0x1C80] =	vst v63  }
0x52: {  	s25 =	simm.s32 $0x980;
	s26 =	simm.s32 $0x1980;
	s0 =	smax.u32 s0, $0x1  }
0x53: {  	[tilespmem:s26], [sflag:$0x1] =	stream.indirect.gather [hbm4b:s5+s4], $0x1, s25, s4, $0xb8;
	[tilespmem:$0x1C80] =	vst v63  }
0x54: {  	s21 =	simm.s32 $0x1A00;
	p0 =	sne.s32 s0, $0x1;
	s20 =	simm.s32 $0xA00  }
0x55: {  	[tilespmem:s21], [sflag:$0x1] =	stream.indirect.gather [hbm4b:s5+s4], $0x1, s20, s4, $0xb8;
	[tilespmem:$0x1C80] =	vst v63  }
.Ltmp0:
0x56: {  	s31 =	simm.s32 $0xC00;
	s1 =	simm.s32 $0x1C00;
	(pc) =	sbr.rel @!p0 .LBB2_2-.Ltmp0, $4  }
0x57: {  	s24 =	simm.s32 $0xB00;
	s22 =	simm.s32 $0xA80;
	s23 =	simm.s32 $0x1A80  }
0x58: {  	[tilespmem:s23], [sflag:$0x1] =	stream.indirect.gather [hbm4b:s5+s4], $0x1, s22, s4, $0xb8;
	[tilespmem:$0x1C80] =	vst v63  }
0x59: {  	s29 =	sadd.s32 $0xFFFFFFFF, s0;
	s25 =	simm.s32 $0x1B00;
	s26 =	simm.s32 $0x1  }
0x5a: {  	[tilespmem:s25], [sflag:$0x1] =	stream.indirect.gather [hbm4b:s5+s4], $0x1, s24, s4, $0xb8;
	[tilespmem:$0x1C80] =	vst v63  }
.LBB2_1:
0x5b: {  	[tilespmem:s30], [sflag:$0x1] =	stream.indirect.gather [hbm4b:s5+s4], $0x1, s28, s4, $0xb8;
	[tilespmem:$0x1C80] =	vst v63  }
0x5c: {  	_ = 	snop  }
0x5d: {  	[tilespmem:s1], [sflag:$0x1] =	stream.indirect.gather [hbm4b:s5+s4], $0x1, s31, s4, $0xb8;
	[tilespmem:$0x1C80] =	vst v63  }
0x5e: {  	_ =	swait.ge [sflag:s26], $0xC80  }
0x5f: {  	[sflag:s26] =	ssyncset.done $0x0  }
0x60: {  	s0 =	rddreg [dreg:$0x3];
	[sflag:s26] =	ssyncadd.s32 $0xFFFFF380  }
0x61: {  	[hbm4b:s0+s4] =	stream.strided.scatter [tilespmem:s6], [sflag:$0x2], $0xC80, s7, s4, $0x38;
	[tilespmem:$0x1C80] =	vst v63  }
0x62: {  	_ =	swait.ge [sflag:s3], $0xC80  }
0x63: {  	[sflag:s3] =	ssyncset.done $0x0  }
0x64: {  	s17 =	rddreg [dreg:$0x2];
	[sflag:s3] =	ssyncadd.s32 $0xFFFFF380  }
0x65: {  	[tilespmem:s2], [sflag:$0x2] =	stream.linear.gather [hbm4b:s17+s2], $0xC80, $0x38;
	[tilespmem:$0x1C80] =	vst v63  }
0x66: {  	_ =	swait.ge [sflag:s3], $0xC80  }
0x67: {  	s0 =	rddreg [dreg:$0x19]  }
0x68: {  	s8 =	rddreg [dreg:$0x17]  }
0x69: {  	s9 =	rddreg [dreg:$0x15]  }
0x6a: {  	s10 =	rddreg [dreg:$0x13]  }
0x6b: {  	s11 =	rddreg [dreg:$0x11]  }
0x6c: {  	s12 =	rddreg [dreg:$0x10]  }
0x6d: {  	s13 =	rddreg [dreg:$0xe]  }
0x6e: {  	s14 =	rddreg [dreg:$0xc]  }
0x6f: {  	s15 =	rddreg [dreg:$0xa]  }
0x70: {  	s16 =	rddreg [dreg:$0x5];
	[sflag:s3] =	ssyncset.done $0x0  }
0x71: {  	s17 =	rddreg [dreg:$0x4];
	[sflag:s3] =	ssyncadd.s32 $0xFFFFF380  }
0x72: {  	[tilespmem:s6], [sflag:$0x1] =	stream.indirect.gather [hbm4b:s5+s4], $0x1, s2, s4, $0xb8;
	[tilespmem:$0x1C80] =	vst v63  }
0x73: {  	s18 =	rddreg [dreg:$0x6]  }
0x74: {  	[tilespmem:s17], [sflag:$0x1] =	stream.indirect.gather [hbm4b:s5+s4], $0x1, s4, s4, $0xb8;
	[tilespmem:$0x1C80] =	vst v63  }
0x75: {  	s19 =	rddreg [dreg:$0x8]  }
0x76: {  	[tilespmem:s18], [sflag:$0x1] =	stream.indirect.gather [hbm4b:s5+s4], $0x1, s16, s4, $0xb8;
	[tilespmem:$0x1C80] =	vst v63  }
0x77: {  	s17 =	rddreg [dreg:$0x7]  }
0x78: {  	[tilespmem:s19], [sflag:$0x1] =	stream.indirect.gather [hbm4b:s5+s4], $0x1, s17, s4, $0xb8;
	[tilespmem:$0x1C80] =	vst v63  }
0x79: {  	s18 =	rddreg [dreg:$0x9]  }
0x7a: {  	[tilespmem:s15], [sflag:$0x1] =	stream.indirect.gather [hbm4b:s5+s4], $0x1, s18, s4, $0xb8;
	[tilespmem:$0x1C80] =	vst v63  }
0x7b: {  	s19 =	rddreg [dreg:$0xb]  }
0x7c: {  	[tilespmem:s14], [sflag:$0x1] =	stream.indirect.gather [hbm4b:s5+s4], $0x1, s19, s4, $0xb8;
	[tilespmem:$0x1C80] =	vst v63  }
0x7d: {  	s18 =	rddreg [dreg:$0xd]  }
0x7e: {  	[tilespmem:s13], [sflag:$0x1] =	stream.indirect.gather [hbm4b:s5+s4], $0x1, s18, s4, $0xb8;
	[tilespmem:$0x1C80] =	vst v63  }
0x7f: {  	s19 =	rddreg [dreg:$0xf]  }
0x80: {  	[tilespmem:s12], [sflag:$0x1] =	stream.indirect.gather [hbm4b:s5+s4], $0x1, s19, s4, $0xb8;
	[tilespmem:$0x1C80] =	vst v63  }
0x81: {  	s16 =	rddreg [dreg:$0x14]  }
0x82: {  	[tilespmem:s11], [sflag:$0x1] =	stream.indirect.gather [hbm4b:s5+s4], $0x1, s7, s4, $0xb8;
	[tilespmem:$0x1C80] =	vst v63  }
0x83: {  	s15 =	rddreg [dreg:$0x12]  }
0x84: {  	[tilespmem:s10], [sflag:$0x1] =	stream.indirect.gather [hbm4b:s5+s4], $0x1, s15, s4, $0xb8;
	[tilespmem:$0x1C80] =	vst v63  }
0x85: {  	s17 =	rddreg [dreg:$0x16]  }
0x86: {  	[tilespmem:s9], [sflag:$0x1] =	stream.indirect.gather [hbm4b:s5+s4], $0x1, s16, s4, $0xb8;
	[tilespmem:$0x1C80] =	vst v63  }
0x87: {  	s13 =	rddreg [dreg:$0x1b]  }
0x88: {  	[tilespmem:s8], [sflag:$0x1] =	stream.indirect.gather [hbm4b:s5+s4], $0x1, s17, s4, $0xb8;
	[tilespmem:$0x1C80] =	vst v63  }
0x89: {  	s18 =	rddreg [dreg:$0x18]  }
0x8a: {  	[tilespmem:s0], [sflag:$0x1] =	stream.indirect.gather [hbm4b:s5+s4], $0x1, s18, s4, $0xb8;
	[tilespmem:$0x1C80] =	vst v63  }
0x8b: {  	s19 =	rddreg [dreg:$0x1a]  }
0x8c: {  	[tilespmem:s13], [sflag:$0x1] =	stream.indirect.gather [hbm4b:s5+s4], $0x1, s19, s4, $0xb8;
	[tilespmem:$0x1C80] =	vst v63  }
0x8d: {  	s9 =	simm.s32 $0x1700;
	s8 =	simm.s32 $0x700  }
0x8e: {  	[tilespmem:s9], [sflag:$0x1] =	stream.indirect.gather [hbm4b:s5+s4], $0x1, s8, s4, $0xb8;
	[tilespmem:$0x1C80] =	vst v63  }
0x8f: {  	s11 =	simm.s32 $0x1780;
	s10 =	simm.s32 $0x780  }
0x90: {  	[tilespmem:s11], [sflag:$0x1] =	stream.indirect.gather [hbm4b:s5+s4], $0x1, s10, s4, $0xb8;
	[tilespmem:$0x1C80] =	vst v63  }
0x91: {  	s12 =	simm.s32 $0x800;
	s13 =	simm.s32 $0x1800  }
0x92: {  	[tilespmem:s13], [sflag:$0x1] =	stream.indirect.gather [hbm4b:s5+s4], $0x1, s12, s4, $0xb8;
	[tilespmem:$0x1C80] =	vst v63  }
0x93: {  	s14 =	simm.s32 $0x880;
	s15 =	simm.s32 $0x1880  }
0x94: {  	[tilespmem:s15], [sflag:$0x1] =	stream.indirect.gather [hbm4b:s5+s4], $0x1, s14, s4, $0xb8;
	[tilespmem:$0x1C80] =	vst v63  }
0x95: {  	s16 =	simm.s32 $0x900;
	s17 =	simm.s32 $0x1900  }
0x96: {  	[tilespmem:s17], [sflag:$0x1] =	stream.indirect.gather [hbm4b:s5+s4], $0x1, s16, s4, $0xb8;
	[tilespmem:$0x1C80] =	vst v63  }
0x97: {  	s18 =	simm.s32 $0x980;
	s19 =	simm.s32 $0x1980  }
0x98: {  	[tilespmem:s19], [sflag:$0x1] =	stream.indirect.gather [hbm4b:s5+s4], $0x1, s18, s4, $0xb8;
	[tilespmem:$0x1C80] =	vst v63  }
0x99: {  	p0 =	sne.s32 s29, $0x1  }
0x9a: {  	[tilespmem:s21], [sflag:$0x1] =	stream.indirect.gather [hbm4b:s5+s4], $0x1, s20, s4, $0xb8;
	[tilespmem:$0x1C80] =	vst v63  }
.Ltmp1:
0x9b: {  	_ = 	snop;
	(pc) =	sbr.rel @p0 .LBB2_1-.Ltmp1, $4  }
0x9c: {  	_ = 	snop  }
0x9d: {  	[tilespmem:s23], [sflag:$0x1] =	stream.indirect.gather [hbm4b:s5+s4], $0x1, s22, s4, $0xb8;
	[tilespmem:$0x1C80] =	vst v63  }
0x9e: {  	s29 =	sadd.s32 $0xFFFFFFFF, s29  }
0x9f: {  	[tilespmem:s25], [sflag:$0x1] =	stream.indirect.gather [hbm4b:s5+s4], $0x1, s24, s4, $0xb8;
	[tilespmem:$0x1C80] =	vst v63  }
.LBB2_2:
0xa0: {  	[tilespmem:s30], [sflag:$0x1] =	stream.indirect.gather [hbm4b:s5+s4], $0x1, s28, s4, $0xb8;
	[tilespmem:$0x1C80] =	vst v63  }
0xa1: {  	_ = 	snop  }
0xa2: {  	[tilespmem:s1], [sflag:$0x1] =	stream.indirect.gather [hbm4b:s5+s4], $0x1, s31, s4, $0xb8;
	[tilespmem:$0x1C80] =	vst v63  }
0xa3: {  	_ =	swait.ge [sflag:s26], $0xC80  }
0xa4: {  	[sflag:s26] =	ssyncset.done $0x0  }
0xa5: {  	s0 =	rddreg [dreg:$0x3];
	[sflag:s26] =	ssyncadd.s32 $0xFFFFF380  }
0xa6: {  	[hbm4b:s0+s4] =	stream.strided.scatter [tilespmem:s6], [sflag:$0x2], $0xC80, s7, s4, $0x38;
	[tilespmem:$0x1C80] =	vst v63  }
0xa7: {  	_ =	swait.ge [sflag:s3], $0xC80  }
0xa8: {  	[sflag:s3] =	ssyncset.done $0x0  }
0xa9: {  	[sflag:s3] =	ssyncadd.s32 $0xFFFFF380  }
0xaa: {  	_ =	sfence.sel $0x180000  }
0xab: {  	[bflag:$0x0] =	sbarrier.arrive $0xFFFF  }
0xac: {  	_ =	strace $0x90000047  }
0xad: {  	s31 =	stileid.u32;
	[bflag:$0x2] =	sbarrier.arrive $0xFFFF  }
0xae: {  	p0 =	sne.s32 s31, $0x0;
	s0 =	rddreg [dreg:$0x1]  }
0xaf: {  	s0 =	sadd.s32 @!p0 $0x100000, s0  }
0xb0: {  	[sflag:s0] =	ssyncadd.tile.s32 @!p0 $0x1;
	_ =	shalt  }
.Lfunc_end2:
_tile_overlayer_lowered:
.L_overlay_start_2:
0xb1: {  	(tag) =	ssettag $0x2  }
0xb2: {  	s0 =	rddreg [dreg:$0x0];
	s2 =	stileid.u32  }
0xb3: {  	s1 =	rddreg [dreg:$0x1];
	p0 =	sne.s32 s2, $0x0  }
0xb4: {  	s3 =	rddreg [dreg:$0x2];
	[bflag:$0x3] =	sbarrier.arrive $0xFFFF;
	s2 =	simm.s32 @!p0 $0x1C02  }
0xb5: {  	[timem:s3], [sflag:s2] =	dma.local @!p0 [hbm:s0], s1  }
0xb6: {  	s0 =	simm.s32 @!p0 $0x2  }
0xb7: {  	_ =	swait.ge @!p0 [sflag:s0], s1  }
0xb8: {  	s1 =	ssub.s32 @!p0 $0x0, s1;
	[sflag:s0] =	ssyncset.done @!p0 $0x0  }
0xb9: {  	[sflag:s0] =	ssyncadd.s32 @!p0 s1  }
0xba: {  	[bflag:$0x3] =	sbarrier.arrive $0xFFFF  }
0xbb: {  	_ =	shalt  }

</sc_bundles>
